<compile_context>
chip_gen: v7x
topology: tpu7x:2x2x1
jax: 0.10.2.dev20260603
libtpu: 0.0.44.dev20260713+nightly
codegen_flags: <defaults>
</compile_context>

<pallas_src>
import functools
import math

import jax
import jax.numpy as jnp
from jax import lax
from jax.experimental import pallas as pl
from jax.experimental.pallas import tpu as pltpu
from jax.experimental.pallas import tpu_sc as plsc

NC = 2
NS = 16
L = 16
PW = 16
NH = 4


def _chunk(n, limit=128):
    for c in range(limit, 7, -1):
        if c % 8 == 0 and n % c == 0:
            return c
    raise ValueError(f"no chunk for {n}")


def _divisor(n, limit):
    for c in range(limit, 0, -1):
        if n % c == 0:
            return c
    return 1


@functools.partial(jax.jit, static_argnames=("l", "hd", "n_edges"))
def _scores(qt, kt, iq, ik, esrc, *, l, hd, n_edges):
    temp = 1.0 / math.sqrt(hd // NH)
    hh2 = hd // 2
    epw = n_edges // (NC * NS)
    c1 = _chunk(epw)
    n_chunks = epw // c1
    rpt = -(-l // NS // 8) * 8
    lp = NS * rpt
    zrows = _divisor(rpt, 128)

    mesh = plsc.VectorSubcoreMesh(core_axis_name="c", subcore_axis_name="s",
                                  num_cores=NC, num_subcores=NS)

    @functools.partial(
        pl.kernel,
        out_type=(
            jax.ShapeDtypeStruct((n_edges, PW), jnp.float32),
            jax.ShapeDtypeStruct((NC, lp, hh2), jnp.float32),
        ),
        mesh=mesh,
        compiler_params=pltpu.CompilerParams(needs_layout_passes=False),
        scratch_types=[
            pltpu.VMEM((2 * c1, hh2), jnp.float32),
            pltpu.VMEM((2 * c1, hh2), jnp.float32),
            pltpu.VMEM((c1, PW), jnp.float32),
            pltpu.VMEM((c1, hh2), jnp.float32),
            pltpu.VMEM((L, L), jnp.float32),
            pltpu.VMEM((c1,), jnp.int32),
            pltpu.VMEM((2 * c1,), jnp.int32),
            pltpu.VMEM((2 * c1,), jnp.int32),
            pltpu.VMEM((8, hh2), jnp.float32),
            pltpu.VMEM_SHARED((lp, hh2), jnp.float32),
            pltpu.SemaphoreType.DMA,
            pltpu.SemaphoreType.DMA,
        ],
    )
    def k1(qt_hbm, kt_hbm, iq_hbm, ik_hbm, esrc_hbm, p_hbm, dpart_hbm,
           qbuf, kbuf, pbuf, pb128, ttr, isrc, iqb, ikb, zbuf, den_sp,
           qsem, ksem):
        cid = lax.axis_index("c")
        sid = lax.axis_index("s")
        wid = cid * NS + sid
        lanes = lax.iota(jnp.int32, L)
        epair = lanes >> 1
        hpair = lanes & 1
        pcol = [jnp.full((L,), p, jnp.int32) for p in range(16)]

        def zero_z(i, _):
            for j in range(hh2 // L):
                zbuf[i, pl.ds(j * L, L)] = jnp.zeros((L,), jnp.float32)
            return 0
        lax.fori_loop(0, 8, zero_z, 0)
        row0 = sid * rpt

        def zcp(j, _):
            pltpu.sync_copy(zbuf, den_sp.at[pl.ds(row0 + j * 8, 8)])
            return 0
        lax.fori_loop(0, rpt // 8, zcp, 0)

        def zero_p(e, _):
            pbuf[e, :] = jnp.zeros((L,), jnp.float32)
            for j in range(hh2 // L):
                pb128[e, pl.ds(j * L, L)] = jnp.zeros((L,), jnp.float32)
            return 0
        lax.fori_loop(0, c1, zero_p, 0)
        plsc.subcore_barrier()

        def chunk_body(i, _):
            base = wid * epw + i * c1
            pltpu.sync_copy(esrc_hbm.at[pl.ds(base, c1)], isrc)
            pltpu.sync_copy(iq_hbm.at[pl.ds(2 * base, 2 * c1)], iqb)
            pltpu.sync_copy(ik_hbm.at[pl.ds(2 * base, 2 * c1)], ikb)
            cpq = pltpu.async_copy(qt_hbm.at[iqb], qbuf, qsem)
            cpk = pltpu.async_copy(kt_hbm.at[ikb], kbuf, ksem)
            cpq.wait()
            cpk.wait()

            def blk_body(b, _):
                for g in range(NH // 2):
                    for pp in range(16):
                        el = b * 8 + pp // 2
                        hh = 2 * g + (pp % 2)
                        r = 2 * el + hh // 2
                        o = (hh % 2) * (hd // NH)
                        acc = qbuf[r, pl.ds(o, L)] * kbuf[r, pl.ds(o, L)]
                        for j in range(1, hd // NH // L):
                            acc = acc + (qbuf[r, pl.ds(o + j * L, L)]
                                         * kbuf[r, pl.ds(o + j * L, L)])
                        plsc.store_scatter(ttr, [lanes, pcol[pp]], acc)
                    s = ttr[0, :]
                    for j in range(1, L):
                        s = s + ttr[j, :]
                    pv = jnp.exp(s * temp)
                    plsc.store_scatter(
                        pbuf, [b * 8 + epair, 2 * g + hpair], pv)
                    plsc.store_scatter(
                        pb128, [b * 8 + epair, 2 * g + hpair], pv)
                return 0
            lax.fori_loop(0, c1 // 8, blk_body, 0)

            pltpu.sync_copy(pbuf, p_hbm.at[pl.ds(base, c1)])
            pltpu.sync_copy(pb128, den_sp.at[isrc], add=True)
            return 0
        lax.fori_loop(0, n_chunks, chunk_body, 0)

        plsc.subcore_barrier()
        pltpu.sync_copy(den_sp.at[pl.ds(row0, rpt)],
                        dpart_hbm.at[cid, pl.ds(row0, rpt)])

    return k1(qt, kt, iq, ik, esrc)


@functools.partial(jax.jit, static_argnames=("l", "hd", "n_edges"))
def _alpha(p, d0, d1, esrc, *, l, hd, n_edges):
    epw = n_edges // (NC * NS)
    c1 = _chunk(epw, limit=256)
    n_chunks = epw // c1
    rpt = -(-l // NS // 8) * 8
    lp = NS * rpt
    hh2 = hd // 2
    sb = 32
    n_sb = lp // sb

    mesh = plsc.VectorSubcoreMesh(core_axis_name="c", subcore_axis_name="s",
                                  num_cores=NC, num_subcores=NS)

    @functools.partial(
        pl.kernel,
        out_type=(
            jax.ShapeDtypeStruct((n_edges, PW), jnp.float32),
            jax.ShapeDtypeStruct((NC, lp * NH), jnp.float32),
        ),
        mesh=mesh,
        compiler_params=pltpu.CompilerParams(needs_layout_passes=False),
        scratch_types=[
            pltpu.VMEM((c1, PW), jnp.float32),
            pltpu.VMEM((c1, PW), jnp.float32),
            pltpu.VMEM((c1,), jnp.int32),
            pltpu.VMEM((sb, hh2), jnp.float32),
            pltpu.VMEM((sb, hh2), jnp.float32),
            pltpu.VMEM((sb * NH,), jnp.float32),
            pltpu.VMEM((lp * NH,), jnp.float32),
        ],
    )
    def k2(p_hbm, d0_hbm, d1_hbm, esrc_hbm, al_hbm, dtx_hbm,
           pbuf, albuf, isrc, stg0, stg1, cbuf, dt):
        cid = lax.axis_index("c")
        sid = lax.axis_index("s")
        wid = cid * NS + sid
        lanes = lax.iota(jnp.int32, L)
        qrow = lanes >> 2
        qcol = lanes & 3

        def zero_a(e, _):
            albuf[e, :] = jnp.zeros((L,), jnp.float32)
            return 0
        lax.fori_loop(0, c1, zero_a, 0)

        nb = (n_sb - sid + NS - 1) // NS

        def stage_body(j, _):
            b = sid + j * NS
            pltpu.sync_copy(d0_hbm.at[pl.ds(b * sb, sb)], stg0)
            pltpu.sync_copy(d1_hbm.at[pl.ds(b * sb, sb)], stg1)

            def cpt(i, _):
                r = i * 4
                v = (plsc.load_gather(stg0, [r + qrow, qcol])
                     + plsc.load_gather(stg1, [r + qrow, qcol]))
                cbuf[pl.ds(r * NH, L)] = v
                return 0
            lax.fori_loop(0, sb // 4, cpt, 0)
            pltpu.sync_copy(
                cbuf, dtx_hbm.at[cid, pl.ds(b * sb * NH, sb * NH)])
            return 0
        lax.fori_loop(0, nb, stage_body, 0)
        plsc.subcore_barrier()
        pltpu.sync_copy(dtx_hbm.at[cid], dt)

        def chunk_body(i, _):
            base = wid * epw + i * c1
            pltpu.sync_copy(esrc_hbm.at[pl.ds(base, c1)], isrc)
            pltpu.sync_copy(p_hbm.at[pl.ds(base, c1)], pbuf)

            def alpha_blk(b, _):
                el4 = b * 4 + qrow
                src4 = plsc.load_gather(isrc, [el4])
                dv = plsc.load_gather(dt, [src4 * NH + qcol])
                pv = plsc.load_gather(pbuf, [el4, qcol])
                plsc.store_scatter(albuf, [el4, qcol], pv / (dv + 1e-16))
                return 0
            lax.fori_loop(0, c1 // 4, alpha_blk, 0)

            pltpu.sync_copy(albuf, al_hbm.at[pl.ds(base, c1)])
            return 0
        lax.fori_loop(0, n_chunks, chunk_body, 0)

    return k2(p, d0, d1, esrc)[0]


@functools.partial(jax.jit, static_argnames=("l", "hd", "n_edges"))
def _spmm(vt, al, esrc, iv, *, l, hd, n_edges):
    hw = hd // NC
    ept = n_edges // NS
    c2 = _chunk(ept)
    n_chunks = ept // c2
    rpt = -(-l // NS // 8) * 8
    lp = NS * rpt
    hps = NH // NC

    mesh = plsc.VectorSubcoreMesh(core_axis_name="c", subcore_axis_name="s",
                                  num_cores=NC, num_subcores=NS)

    @functools.partial(
        pl.kernel,
        out_type=jax.ShapeDtypeStruct((lp, NC * hw), jnp.float32),
        mesh=mesh,
        compiler_params=pltpu.CompilerParams(needs_layout_passes=False),
        scratch_types=[
            pltpu.VMEM((c2, hw), jnp.float32),
            pltpu.VMEM((c2, hw), jnp.float32),
            pltpu.VMEM((c2, PW), jnp.float32),
            pltpu.VMEM((c2,), jnp.int32),
            pltpu.VMEM((c2,), jnp.int32),
            pltpu.VMEM((8, hw), jnp.float32),
            pltpu.VMEM_SHARED((lp, hw), jnp.float32),
            pltpu.SemaphoreType.DMA,
        ],
    )
    def k3(vt_hbm, al_hbm, esrc_hbm, iv_hbm, out_hbm,
           vbuf, cbuf, albuf, isrc, ivv, zbuf, out_sp, vsem):
        cid = lax.axis_index("c")
        sid = lax.axis_index("s")
        hv0 = cid * hps

        def zero_z(i, _):
            for j in range(hw // L):
                zbuf[i, pl.ds(j * L, L)] = jnp.zeros((L,), jnp.float32)
            return 0
        lax.fori_loop(0, 8, zero_z, 0)
        row0 = sid * rpt

        def zcp(j, _):
            pltpu.sync_copy(zbuf, out_sp.at[pl.ds(row0 + j * 8, 8)])
            return 0
        lax.fori_loop(0, rpt // 8, zcp, 0)
        plsc.subcore_barrier()

        idx0 = jnp.full((L,), hv0, jnp.int32)
        idx1 = idx0 + 1

        def chunk_body(i, _):
            base = sid * ept + i * c2
            pltpu.sync_copy(esrc_hbm.at[pl.ds(base, c2)], isrc)
            pltpu.sync_copy(
                iv_hbm.at[pl.ds(cid * n_edges + base, c2)], ivv)
            cpv = pltpu.async_copy(vt_hbm.at[ivv], vbuf, vsem)
            pltpu.sync_copy(al_hbm.at[pl.ds(base, c2)], albuf)
            cpv.wait()

            def edge_body(e, _):
                erow = jnp.full((L,), e, jnp.int32)
                a0 = plsc.load_gather(albuf, [erow, idx0])
                a1 = plsc.load_gather(albuf, [erow, idx1])
                for j in range(hw // L // 2):
                    cbuf[e, pl.ds(j * L, L)] = vbuf[e, pl.ds(j * L, L)] * a0
                for j in range(hw // L // 2, hw // L):
                    cbuf[e, pl.ds(j * L, L)] = vbuf[e, pl.ds(j * L, L)] * a1
                return 0
            lax.fori_loop(0, c2, edge_body, 0)

            pltpu.sync_copy(cbuf, out_sp.at[isrc], add=True)
            return 0
        lax.fori_loop(0, n_chunks, chunk_body, 0)

        plsc.subcore_barrier()
        pltpu.sync_copy(out_sp.at[pl.ds(row0, rpt)],
                        out_hbm.at[pl.ds(row0, rpt), pl.ds(cid * hw, hw)])

    return k3(vt, al, esrc, iv)


def kernel(queries, keys, values, edges):
    l, h, e = queries.shape
    hd = h * e
    n_edges = edges.shape[1]
    esrc = edges[0].astype(jnp.int32)
    edst = edges[1].astype(jnp.int32)
    qt = queries.reshape(l * 2, hd // 2)
    kt = keys.reshape(l * 2, hd // 2)
    vt = values.reshape(l * 2, hd // 2)
    iq = jnp.stack([esrc * 2, esrc * 2 + 1], axis=1).reshape(2 * n_edges)
    ik = jnp.stack([edst * 2, edst * 2 + 1], axis=1).reshape(2 * n_edges)
    iv = jnp.concatenate([edst * 2, edst * 2 + 1])
    p, dpart = _scores(qt, kt, iq, ik, esrc, l=l, hd=hd, n_edges=n_edges)
    al = _alpha(p, dpart[0], dpart[1], esrc, l=l, hd=hd, n_edges=n_edges)
    out = _spmm(vt, al, esrc, iv, l=l, hd=hd, n_edges=n_edges)
    return out[:l].reshape(l, h, e)

# --- scband reference (transcript-rebuilt; emitter-appended) ---
"""Pipeline reference for scband-sparse-attention-49185965473951 (READ-ONLY COPY).

The authoritative reference and input builder live on the scoring server;
editing this copy changes nothing except your own understanding.
"""

import math
import jax, jax.numpy as jnp
import numpy as np

N_NODES = 10000
N_EDGES = 160000
H = 4
E_DIM = 64


def setup_inputs(seed: int = 0) -> dict:
    key = jax.random.key(seed)
    kq, kk, kv, ke = jax.random.split(key, 4)
    queries = jax.random.normal(kq, (N_NODES, H, E_DIM), dtype=jnp.float32)
    keys = jax.random.normal(kk, (N_NODES, H, E_DIM), dtype=jnp.float32)
    values = jax.random.normal(kv, (N_NODES, H, E_DIM), dtype=jnp.float32)
    edges = jax.random.randint(ke, (2, N_EDGES), 0, N_NODES, dtype=jnp.int64) if jax.config.jax_enable_x64 else jax.random.randint(ke, (2, N_EDGES), 0, N_NODES, dtype=jnp.int32)
    return {"queries": queries, "keys": keys, "values": values, "edges": edges}


def _segment_softmax(x, seg_ids, num_segments):
    # numerically-stable softmax grouped by segment id (dst node of each edge)
    seg_max = jax.ops.segment_max(x, seg_ids, num_segments=num_segments)
    # empty segments produce -inf max; they are never indexed back via seg_ids
    x = jnp.exp(x - seg_max[seg_ids])
    denom = jax.ops.segment_sum(x, seg_ids, num_segments=num_segments)
    return x / (denom[seg_ids] + 1e-16)


def reference(queries, keys, values, edges):
    l, h, e = queries.shape[-3:]
    k = values.shape[-3]
    softmax_temp = 1.0 / math.sqrt(e)
    src = edges[0]  # query-side index (rows of output)
    dst = edges[1]  # key/value-side index
    # qk = sum(queries[src] * keys[dst], dim=-1) -> [E, h]
    qk = jnp.sum(jnp.take(queries, src, axis=-3) * jnp.take(keys, dst, axis=-3), axis=-1)
    alpha = _segment_softmax(softmax_temp * qk, src, l)  # [E, h]
    # spmm_: out[i] = sum over edges with src==i of alpha[e] * values[dst[e]]
    v = jax.ops.segment_sum(alpha[..., None] * jnp.take(values, dst, axis=-3), src, num_segments=l)
    # dropout p=0.0 (deterministic eval) -> identity
    return v

if __name__ == "__main__":
    import jax
    _d = setup_inputs()
    print(jax.jit(kernel)(*tuple(_d.values())))

</pallas_src>

<mosaic_0001>
#map = affine_map<(d0, d1) -> (0, 0)>
#map1 = affine_map<(d0, d1) -> (0)>
#map2 = affine_map<(d0, d1) -> (0, 0, 0)>
module attributes {stable_mosaic.version = 14 : i64} {
  func.func @k1(%arg0: i32, %arg1: i32, %arg2: memref<20000x128xf32, #tpu.memory_space<hbm>>, %arg3: memref<20000x128xf32, #tpu.memory_space<hbm>>, %arg4: memref<320000xi32, #tpu.memory_space<hbm>>, %arg5: memref<320000xi32, #tpu.memory_space<hbm>>, %arg6: memref<160000xi32, #tpu.memory_space<hbm>>, %arg7: memref<160000x16xf32, #tpu.memory_space<hbm>>, %arg8: memref<2x10112x128xf32, #tpu.memory_space<hbm>>, %arg9: memref<80x128xf32, #tpu.memory_space<vmem>>, %arg10: memref<80x128xf32, #tpu.memory_space<vmem>>, %arg11: memref<40x16xf32, #tpu.memory_space<vmem>>, %arg12: memref<40x128xf32, #tpu.memory_space<vmem>>, %arg13: memref<16x16xf32, #tpu.memory_space<vmem>>, %arg14: memref<40xi32, #tpu.memory_space<vmem>>, %arg15: memref<80xi32, #tpu.memory_space<vmem>>, %arg16: memref<80xi32, #tpu.memory_space<vmem>>, %arg17: memref<8x128xf32, #tpu.memory_space<vmem>>, %arg18: memref<10112x128xf32, #tpu.memory_space<vmem_shared>>, %arg19: memref<!tpu.dma_semaphore, #tpu.memory_space<semaphore_mem>>, %arg20: memref<!tpu.dma_semaphore, #tpu.memory_space<semaphore_mem>>) attributes {dimension_semantics = [#tpu.dimension_semantics<core_parallel>, #tpu.dimension_semantics<subcore_parallel>], iteration_bounds = array<i64: 2, 16>, scalar_prefetch = 0 : i64, scratch_operands = 12 : i64, tpu.core_type = #tpu.core_type<sc_vector_subcore>, window_params = [{transform_indices = #map}, {transform_indices = #map}, {transform_indices = #map1}, {transform_indices = #map1}, {transform_indices = #map1}, {transform_indices = #map}, {transform_indices = #map2}]} {
    %mul3A = arith.constant 16 : i32
    %mul3A_0 = arith.muli %arg0, %mul3A : i32
    %add3A = arith.addi %mul3A_0, %arg1 : i32
    %iota3A = tpu.iota {dimensions = array<i32: 0>} : vector<16xi32>
    %shift_right_arithmetic3A = arith.constant 1 : i32
    %shift_right_arithmetic3A_1 = vector.broadcast %shift_right_arithmetic3A : i32 to vector<16xi32>
    %shift_right_arithmetic3A_2 = arith.shrsi %iota3A, %shift_right_arithmetic3A_1 : vector<16xi32>
    %and3A = arith.constant 1 : i32
    %and3A_3 = vector.broadcast %and3A : i32 to vector<16xi32>
    %and3A_4 = arith.andi %iota3A, %and3A_3 : vector<16xi32>
    %broadcast_in_dim3A = arith.constant 0 : i32
    %broadcast_in_dim3A_5 = vector.broadcast %broadcast_in_dim3A : i32 to vector<16xi32>
    %broadcast_in_dim3A_6 = arith.constant 1 : i32
    %broadcast_in_dim3A_7 = vector.broadcast %broadcast_in_dim3A_6 : i32 to vector<16xi32>
    %broadcast_in_dim3A_8 = arith.constant 2 : i32
    %broadcast_in_dim3A_9 = vector.broadcast %broadcast_in_dim3A_8 : i32 to vector<16xi32>
    %broadcast_in_dim3A_10 = arith.constant 3 : i32
    %broadcast_in_dim3A_11 = vector.broadcast %broadcast_in_dim3A_10 : i32 to vector<16xi32>
    %broadcast_in_dim3A_12 = arith.constant 4 : i32
    %broadcast_in_dim3A_13 = vector.broadcast %broadcast_in_dim3A_12 : i32 to vector<16xi32>
    %broadcast_in_dim3A_14 = arith.constant 5 : i32
    %broadcast_in_dim3A_15 = vector.broadcast %broadcast_in_dim3A_14 : i32 to vector<16xi32>
    %broadcast_in_dim3A_16 = arith.constant 6 : i32
    %broadcast_in_dim3A_17 = vector.broadcast %broadcast_in_dim3A_16 : i32 to vector<16xi32>
    %broadcast_in_dim3A_18 = arith.constant 7 : i32
    %broadcast_in_dim3A_19 = vector.broadcast %broadcast_in_dim3A_18 : i32 to vector<16xi32>
    %broadcast_in_dim3A_20 = arith.constant 8 : i32
    %broadcast_in_dim3A_21 = vector.broadcast %broadcast_in_dim3A_20 : i32 to vector<16xi32>
    %broadcast_in_dim3A_22 = arith.constant 9 : i32
    %broadcast_in_dim3A_23 = vector.broadcast %broadcast_in_dim3A_22 : i32 to vector<16xi32>
    %broadcast_in_dim3A_24 = arith.constant 10 : i32
    %broadcast_in_dim3A_25 = vector.broadcast %broadcast_in_dim3A_24 : i32 to vector<16xi32>
    %broadcast_in_dim3A_26 = arith.constant 11 : i32
    %broadcast_in_dim3A_27 = vector.broadcast %broadcast_in_dim3A_26 : i32 to vector<16xi32>
    %broadcast_in_dim3A_28 = arith.constant 12 : i32
    %broadcast_in_dim3A_29 = vector.broadcast %broadcast_in_dim3A_28 : i32 to vector<16xi32>
    %broadcast_in_dim3A_30 = arith.constant 13 : i32
    %broadcast_in_dim3A_31 = vector.broadcast %broadcast_in_dim3A_30 : i32 to vector<16xi32>
    %broadcast_in_dim3A_32 = arith.constant 14 : i32
    %broadcast_in_dim3A_33 = vector.broadcast %broadcast_in_dim3A_32 : i32 to vector<16xi32>
    %broadcast_in_dim3A_34 = arith.constant 15 : i32
    %broadcast_in_dim3A_35 = vector.broadcast %broadcast_in_dim3A_34 : i32 to vector<16xi32>
    %scan3A = arith.constant 0 : i32
    %scan3A_36 = arith.constant 0 : i32
    %scan3A_37 = arith.constant 8 : i32
    %scan3A_38 = arith.addi %scan3A_36, %scan3A_37 : i32
    %scan3A_39 = arith.constant 1 : i32
    %scan3A_40 = scf.for %scan3A_66 = %scan3A_36 to %scan3A_38 step %scan3A_39 iter_args(%scan3A_67 = %scan3A) -> (i32)  : i32 {
      %broadcast_in_dim3A_68 = arith.constant 0.000000e+00 : f32
      %broadcast_in_dim3A_69 = vector.broadcast %broadcast_in_dim3A_68 : f32 to vector<16xf32>
      %swap3A = arith.index_cast %scan3A_66 : i32 to index
      %swap3A_70 = arith.constant 0 : index
      %swap3A_71 = tpu.vector_load %arg17[%swap3A, %swap3A_70] {strides = array<i32>} : memref<8x128xf32, #tpu.memory_space<vmem>>, vector<16xf32>,
      tpu.vector_store %arg17[%swap3A, %swap3A_70], %broadcast_in_dim3A_69 {strides = array<i32>} : memref<8x128xf32, #tpu.memory_space<vmem>>, vector<16xf32>,
      %broadcast_in_dim3A_72 = arith.constant 0.000000e+00 : f32
      %broadcast_in_dim3A_73 = vector.broadcast %broadcast_in_dim3A_72 : f32 to vector<16xf32>
      %swap3A_74 = arith.index_cast %scan3A_66 : i32 to index
      %swap3A_75 = arith.constant 16 : index
      %swap3A_76 = tpu.vector_load %arg17[%swap3A_74, %swap3A_75] {strides = array<i32>} : memref<8x128xf32, #tpu.memory_space<vmem>>, vector<16xf32>,
      tpu.vector_store %arg17[%swap3A_74, %swap3A_75], %broadcast_in_dim3A_73 {strides = array<i32>} : memref<8x128xf32, #tpu.memory_space<vmem>>, vector<16xf32>,
      %broadcast_in_dim3A_77 = arith.constant 0.000000e+00 : f32
      %broadcast_in_dim3A_78 = vector.broadcast %broadcast_in_dim3A_77 : f32 to vector<16xf32>
      %swap3A_79 = arith.index_cast %scan3A_66 : i32 to index
      %swap3A_80 = arith.constant 32 : index
      %swap3A_81 = tpu.vector_load %arg17[%swap3A_79, %swap3A_80] {strides = array<i32>} : memref<8x128xf32, #tpu.memory_space<vmem>>, vector<16xf32>,
      tpu.vector_store %arg17[%swap3A_79, %swap3A_80], %broadcast_in_dim3A_78 {strides = array<i32>} : memref<8x128xf32, #tpu.memory_space<vmem>>, vector<16xf32>,
      %broadcast_in_dim3A_82 = arith.constant 0.000000e+00 : f32
      %broadcast_in_dim3A_83 = vector.broadcast %broadcast_in_dim3A_82 : f32 to vector<16xf32>
      %swap3A_84 = arith.index_cast %scan3A_66 : i32 to index
      %swap3A_85 = arith.constant 48 : index
      %swap3A_86 = tpu.vector_load %arg17[%swap3A_84, %swap3A_85] {strides = array<i32>} : memref<8x128xf32, #tpu.memory_space<vmem>>, vector<16xf32>,
      tpu.vector_store %arg17[%swap3A_84, %swap3A_85], %broadcast_in_dim3A_83 {strides = array<i32>} : memref<8x128xf32, #tpu.memory_space<vmem>>, vector<16xf32>,
      %broadcast_in_dim3A_87 = arith.constant 0.000000e+00 : f32
      %broadcast_in_dim3A_88 = vector.broadcast %broadcast_in_dim3A_87 : f32 to vector<16xf32>
      %swap3A_89 = arith.index_cast %scan3A_66 : i32 to index
      %swap3A_90 = arith.constant 64 : index
      %swap3A_91 = tpu.vector_load %arg17[%swap3A_89, %swap3A_90] {strides = array<i32>} : memref<8x128xf32, #tpu.memory_space<vmem>>, vector<16xf32>,
      tpu.vector_store %arg17[%swap3A_89, %swap3A_90], %broadcast_in_dim3A_88 {strides = array<i32>} : memref<8x128xf32, #tpu.memory_space<vmem>>, vector<16xf32>,
      %broadcast_in_dim3A_92 = arith.constant 0.000000e+00 : f32
      %broadcast_in_dim3A_93 = vector.broadcast %broadcast_in_dim3A_92 : f32 to vector<16xf32>
      %swap3A_94 = arith.index_cast %scan3A_66 : i32 to index
      %swap3A_95 = arith.constant 80 : index
      %swap3A_96 = tpu.vector_load %arg17[%swap3A_94, %swap3A_95] {strides = array<i32>} : memref<8x128xf32, #tpu.memory_space<vmem>>, vector<16xf32>,
      tpu.vector_store %arg17[%swap3A_94, %swap3A_95], %broadcast_in_dim3A_93 {strides = array<i32>} : memref<8x128xf32, #tpu.memory_space<vmem>>, vector<16xf32>,
      %broadcast_in_dim3A_97 = arith.constant 0.000000e+00 : f32
      %broadcast_in_dim3A_98 = vector.broadcast %broadcast_in_dim3A_97 : f32 to vector<16xf32>
      %swap3A_99 = arith.index_cast %scan3A_66 : i32 to index
      %swap3A_100 = arith.constant 96 : index
      %swap3A_101 = tpu.vector_load %arg17[%swap3A_99, %swap3A_100] {strides = array<i32>} : memref<8x128xf32, #tpu.memory_space<vmem>>, vector<16xf32>,
      tpu.vector_store %arg17[%swap3A_99, %swap3A_100], %broadcast_in_dim3A_98 {strides = array<i32>} : memref<8x128xf32, #tpu.memory_space<vmem>>, vector<16xf32>,
      %broadcast_in_dim3A_102 = arith.constant 0.000000e+00 : f32
      %broadcast_in_dim3A_103 = vector.broadcast %broadcast_in_dim3A_102 : f32 to vector<16xf32>
      %swap3A_104 = arith.index_cast %scan3A_66 : i32 to index
      %swap3A_105 = arith.constant 112 : index
      %swap3A_106 = tpu.vector_load %arg17[%swap3A_104, %swap3A_105] {strides = array<i32>} : memref<8x128xf32, #tpu.memory_space<vmem>>, vector<16xf32>,
      tpu.vector_store %arg17[%swap3A_104, %swap3A_105], %broadcast_in_dim3A_103 {strides = array<i32>} : memref<8x128xf32, #tpu.memory_space<vmem>>, vector<16xf32>,
      %scan3A_107 = arith.constant 0 : i32
      scf.yield %scan3A_107 : i32
    }
    %scan3A_41 = arith.constant 8 : i32
    %mul3A_42 = arith.constant 632 : i32
    %mul3A_43 = arith.muli %arg1, %mul3A_42 : i32
    %scan3A_44 = arith.constant 0 : i32
    %scan3A_45 = arith.constant 0 : i32
    %scan3A_46 = arith.constant 79 : i32
    %scan3A_47 = arith.addi %scan3A_45, %scan3A_46 : i32
    %scan3A_48 = arith.constant 1 : i32
    %scan3A_49 = scf.for %scan3A_66 = %scan3A_45 to %scan3A_47 step %scan3A_48 iter_args(%scan3A_67 = %scan3A_44) -> (i32)  : i32 {
      %mul3A_68 = arith.constant 8 : i32
      %mul3A_69 = arith.muli %scan3A_66, %mul3A_68 : i32
      %add3A_70 = arith.addi %mul3A_43, %mul3A_69 : i32
      "tpu.region"() ({
        %run_scoped3A = tpu.sem_alloc : memref<!tpu.dma_semaphore, #tpu.memory_space<semaphore_mem>>
        %dma_start3A = arith.constant 0 : i32
        %dma_start3A_72 = tpu.memref_slice %arg18[%add3A_70, %dma_start3A] : memref<10112x128xf32, #tpu.memory_space<vmem_shared>> -> memref<8x128xf32, #tpu.memory_space<vmem_shared>>
        %dma_start3A_73 = arith.constant 0 : i32
        %dma_start3A_74 = tpu.memref_slice %arg18[%add3A_70, %dma_start3A_73] : memref<10112x128xf32, #tpu.memory_space<vmem_shared>> -> memref<8x128xf32, #tpu.memory_space<vmem_shared>>
        tpu.enqueue_dma source(%arg17 : memref<8x128xf32, #tpu.memory_space<vmem>>) target(%dma_start3A_74 : memref<8x128xf32, #tpu.memory_space<vmem_shared>>) target_semaphore(%run_scoped3A : memref<!tpu.dma_semaphore, #tpu.memory_space<semaphore_mem>>)
        %dma_wait3A = arith.constant 0 : i32
        %dma_wait3A_75 = tpu.memref_slice %arg18[%add3A_70, %dma_wait3A] : memref<10112x128xf32, #tpu.memory_space<vmem_shared>> -> memref<8x128xf32, #tpu.memory_space<vmem_shared>>
        %dma_wait3A_76 = arith.constant 0 : i32
        %dma_wait3A_77 = tpu.memref_slice %arg18[%add3A_70, %dma_wait3A_76] : memref<10112x128xf32, #tpu.memory_space<vmem_shared>> -> memref<8x128xf32, #tpu.memory_space<vmem_shared>>
        tpu.wait_dma2 semaphore(%run_scoped3A : memref<!tpu.dma_semaphore, #tpu.memory_space<semaphore_mem>>) src(%arg17 : memref<8x128xf32, #tpu.memory_space<vmem>>) dst(%dma_wait3A_77 : memref<8x128xf32, #tpu.memory_space<vmem_shared>>)
        tpu.yield
      }) : () -> ()
      %scan3A_71 = arith.constant 0 : i32
      scf.yield %scan3A_71 : i32
    }
    %scan3A_50 = arith.constant 79 : i32
    %scan3A_51 = arith.constant 0 : i32
    %scan3A_52 = arith.constant 0 : i32
    %scan3A_53 = arith.constant 40 : i32
    %scan3A_54 = arith.addi %scan3A_52, %scan3A_53 : i32
    %scan3A_55 = arith.constant 1 : i32
    %scan3A_56 = scf.for %scan3A_66 = %scan3A_52 to %scan3A_54 step %scan3A_55 iter_args(%scan3A_67 = %scan3A_51) -> (i32)  : i32 {
      %broadcast_in_dim3A_68 = arith.constant 0.000000e+00 : f32
      %broadcast_in_dim3A_69 = vector.broadcast %broadcast_in_dim3A_68 : f32 to vector<16xf32>
      %swap3A = arith.index_cast %scan3A_66 : i32 to index
      %swap3A_70 = arith.constant 0 : index
      %swap3A_71 = tpu.vector_load %arg11[%swap3A, %swap3A_70] {strides = array<i32>} : memref<40x16xf32, #tpu.memory_space<vmem>>, vector<16xf32>,
      tpu.vector_store %arg11[%swap3A, %swap3A_70], %broadcast_in_dim3A_69 {strides = array<i32>} : memref<40x16xf32, #tpu.memory_space<vmem>>, vector<16xf32>,
      %broadcast_in_dim3A_72 = arith.constant 0.000000e+00 : f32
      %broadcast_in_dim3A_73 = vector.broadcast %broadcast_in_dim3A_72 : f32 to vector<16xf32>
      %swap3A_74 = arith.index_cast %scan3A_66 : i32 to index
      %swap3A_75 = arith.constant 0 : index
      %swap3A_76 = tpu.vector_load %arg12[%swap3A_74, %swap3A_75] {strides = array<i32>} : memref<40x128xf32, #tpu.memory_space<vmem>>, vector<16xf32>,
      tpu.vector_store %arg12[%swap3A_74, %swap3A_75], %broadcast_in_dim3A_73 {strides = array<i32>} : memref<40x128xf32, #tpu.memory_space<vmem>>, vector<16xf32>,
      %broadcast_in_dim3A_77 = arith.constant 0.000000e+00 : f32
      %broadcast_in_dim3A_78 = vector.broadcast %broadcast_in_dim3A_77 : f32 to vector<16xf32>
      %swap3A_79 = arith.index_cast %scan3A_66 : i32 to index
      %swap3A_80 = arith.constant 16 : index
      %swap3A_81 = tpu.vector_load %arg12[%swap3A_79, %swap3A_80] {strides = array<i32>} : memref<40x128xf32, #tpu.memory_space<vmem>>, vector<16xf32>,
      tpu.vector_store %arg12[%swap3A_79, %swap3A_80], %broadcast_in_dim3A_78 {strides = array<i32>} : memref<40x128xf32, #tpu.memory_space<vmem>>, vector<16xf32>,
      %broadcast_in_dim3A_82 = arith.constant 0.000000e+00 : f32
      %broadcast_in_dim3A_83 = vector.broadcast %broadcast_in_dim3A_82 : f32 to vector<16xf32>
      %swap3A_84 = arith.index_cast %scan3A_66 : i32 to index
      %swap3A_85 = arith.constant 32 : index
      %swap3A_86 = tpu.vector_load %arg12[%swap3A_84, %swap3A_85] {strides = array<i32>} : memref<40x128xf32, #tpu.memory_space<vmem>>, vector<16xf32>,
      tpu.vector_store %arg12[%swap3A_84, %swap3A_85], %broadcast_in_dim3A_83 {strides = array<i32>} : memref<40x128xf32, #tpu.memory_space<vmem>>, vector<16xf32>,
      %broadcast_in_dim3A_87 = arith.constant 0.000000e+00 : f32
      %broadcast_in_dim3A_88 = vector.broadcast %broadcast_in_dim3A_87 : f32 to vector<16xf32>
      %swap3A_89 = arith.index_cast %scan3A_66 : i32 to index
      %swap3A_90 = arith.constant 48 : index
      %swap3A_91 = tpu.vector_load %arg12[%swap3A_89, %swap3A_90] {strides = array<i32>} : memref<40x128xf32, #tpu.memory_space<vmem>>, vector<16xf32>,
      tpu.vector_store %arg12[%swap3A_89, %swap3A_90], %broadcast_in_dim3A_88 {strides = array<i32>} : memref<40x128xf32, #tpu.memory_space<vmem>>, vector<16xf32>,
      %broadcast_in_dim3A_92 = arith.constant 0.000000e+00 : f32
      %broadcast_in_dim3A_93 = vector.broadcast %broadcast_in_dim3A_92 : f32 to vector<16xf32>
      %swap3A_94 = arith.index_cast %scan3A_66 : i32 to index
      %swap3A_95 = arith.constant 64 : index
      %swap3A_96 = tpu.vector_load %arg12[%swap3A_94, %swap3A_95] {strides = array<i32>} : memref<40x128xf32, #tpu.memory_space<vmem>>, vector<16xf32>,
      tpu.vector_store %arg12[%swap3A_94, %swap3A_95], %broadcast_in_dim3A_93 {strides = array<i32>} : memref<40x128xf32, #tpu.memory_space<vmem>>, vector<16xf32>,
      %broadcast_in_dim3A_97 = arith.constant 0.000000e+00 : f32
      %broadcast_in_dim3A_98 = vector.broadcast %broadcast_in_dim3A_97 : f32 to vector<16xf32>
      %swap3A_99 = arith.index_cast %scan3A_66 : i32 to index
      %swap3A_100 = arith.constant 80 : index
      %swap3A_101 = tpu.vector_load %arg12[%swap3A_99, %swap3A_100] {strides = array<i32>} : memref<40x128xf32, #tpu.memory_space<vmem>>, vector<16xf32>,
      tpu.vector_store %arg12[%swap3A_99, %swap3A_100], %broadcast_in_dim3A_98 {strides = array<i32>} : memref<40x128xf32, #tpu.memory_space<vmem>>, vector<16xf32>,
      %broadcast_in_dim3A_102 = arith.constant 0.000000e+00 : f32
      %broadcast_in_dim3A_103 = vector.broadcast %broadcast_in_dim3A_102 : f32 to vector<16xf32>
      %swap3A_104 = arith.index_cast %scan3A_66 : i32 to index
      %swap3A_105 = arith.constant 96 : index
      %swap3A_106 = tpu.vector_load %arg12[%swap3A_104, %swap3A_105] {strides = array<i32>} : memref<40x128xf32, #tpu.memory_space<vmem>>, vector<16xf32>,
      tpu.vector_store %arg12[%swap3A_104, %swap3A_105], %broadcast_in_dim3A_103 {strides = array<i32>} : memref<40x128xf32, #tpu.memory_space<vmem>>, vector<16xf32>,
      %broadcast_in_dim3A_107 = arith.constant 0.000000e+00 : f32
      %broadcast_in_dim3A_108 = vector.broadcast %broadcast_in_dim3A_107 : f32 to vector<16xf32>
      %swap3A_109 = arith.index_cast %scan3A_66 : i32 to index
      %swap3A_110 = arith.constant 112 : index
      %swap3A_111 = tpu.vector_load %arg12[%swap3A_109, %swap3A_110] {strides = array<i32>} : memref<40x128xf32, #tpu.memory_space<vmem>>, vector<16xf32>,
      tpu.vector_store %arg12[%swap3A_109, %swap3A_110], %broadcast_in_dim3A_108 {strides = array<i32>} : memref<40x128xf32, #tpu.memory_space<vmem>>, vector<16xf32>,
      %scan3A_112 = arith.constant 0 : i32
      scf.yield %scan3A_112 : i32
    }
    %scan3A_57 = arith.constant 40 : i32
    %barrier3A = arith.constant 0 : index
    tpu.barrier barrier_id(%barrier3A)
    %scan3A_58 = arith.constant 0 : i32
    %scan3A_59 = arith.constant 0 : i32
    %scan3A_60 = arith.constant 125 : i32
    %scan3A_61 = arith.addi %scan3A_59, %scan3A_60 : i32
    %scan3A_62 = arith.constant 1 : i32
    %scan3A_63 = scf.for %scan3A_66 = %scan3A_59 to %scan3A_61 step %scan3A_62 iter_args(%scan3A_67 = %scan3A_58) -> (i32)  : i32 {
      %mul3A_68 = arith.constant 5000 : i32
      %mul3A_69 = arith.muli %add3A, %mul3A_68 : i32
      %mul3A_70 = arith.constant 40 : i32
      %mul3A_71 = arith.muli %scan3A_66, %mul3A_70 : i32
      %add3A_72 = arith.addi %mul3A_69, %mul3A_71 : i32
      "tpu.region"() ({
        %run_scoped3A = tpu.sem_alloc : memref<!tpu.dma_semaphore, #tpu.memory_space<semaphore_mem>>
        %dma_start3A_95 = tpu.memref_slice %arg6[%add3A_72] : memref<160000xi32, #tpu.memory_space<hbm>> -> memref<40xi32, #tpu.memory_space<hbm>>
        %dma_start3A_96 = tpu.memref_slice %arg6[%add3A_72] : memref<160000xi32, #tpu.memory_space<hbm>> -> memref<40xi32, #tpu.memory_space<hbm>>
        tpu.enqueue_dma source(%dma_start3A_96 : memref<40xi32, #tpu.memory_space<hbm>>) target(%arg14 : memref<40xi32, #tpu.memory_space<vmem>>) target_semaphore(%run_scoped3A : memref<!tpu.dma_semaphore, #tpu.memory_space<semaphore_mem>>)
        %dma_wait3A_97 = tpu.memref_slice %arg6[%add3A_72] : memref<160000xi32, #tpu.memory_space<hbm>> -> memref<40xi32, #tpu.memory_space<hbm>>
        %dma_wait3A_98 = tpu.memref_slice %arg6[%add3A_72] : memref<160000xi32, #tpu.memory_space<hbm>> -> memref<40xi32, #tpu.memory_space<hbm>>
        tpu.wait_dma2 semaphore(%run_scoped3A : memref<!tpu.dma_semaphore, #tpu.memory_space<semaphore_mem>>) src(%dma_wait3A_98 : memref<40xi32, #tpu.memory_space<hbm>>) dst(%arg14 : memref<40xi32, #tpu.memory_space<vmem>>)
        tpu.yield
      }) : () -> ()
      %mul3A_73 = arith.constant 2 : i32
      %mul3A_74 = arith.muli %mul3A_73, %add3A_72 : i32
      "tpu.region"() ({
        %run_scoped3A = tpu.sem_alloc : memref<!tpu.dma_semaphore, #tpu.memory_space<semaphore_mem>>
        %dma_start3A_95 = tpu.memref_slice %arg4[%mul3A_74] : memref<320000xi32, #tpu.memory_space<hbm>> -> memref<80xi32, #tpu.memory_space<hbm>>
        %dma_start3A_96 = tpu.memref_slice %arg4[%mul3A_74] : memref<320000xi32, #tpu.memory_space<hbm>> -> memref<80xi32, #tpu.memory_space<hbm>>
        tpu.enqueue_dma source(%dma_start3A_96 : memref<80xi32, #tpu.memory_space<hbm>>) target(%arg15 : memref<80xi32, #tpu.memory_space<vmem>>) target_semaphore(%run_scoped3A : memref<!tpu.dma_semaphore, #tpu.memory_space<semaphore_mem>>)
        %dma_wait3A_97 = tpu.memref_slice %arg4[%mul3A_74] : memref<320000xi32, #tpu.memory_space<hbm>> -> memref<80xi32, #tpu.memory_space<hbm>>
        %dma_wait3A_98 = tpu.memref_slice %arg4[%mul3A_74] : memref<320000xi32, #tpu.memory_space<hbm>> -> memref<80xi32, #tpu.memory_space<hbm>>
        tpu.wait_dma2 semaphore(%run_scoped3A : memref<!tpu.dma_semaphore, #tpu.memory_space<semaphore_mem>>) src(%dma_wait3A_98 : memref<80xi32, #tpu.memory_space<hbm>>) dst(%arg15 : memref<80xi32, #tpu.memory_space<vmem>>)
        tpu.yield
      }) : () -> ()
      %mul3A_75 = arith.constant 2 : i32
      %mul3A_76 = arith.muli %mul3A_75, %add3A_72 : i32
      "tpu.region"() ({
        %run_scoped3A = tpu.sem_alloc : memref<!tpu.dma_semaphore, #tpu.memory_space<semaphore_mem>>
        %dma_start3A_95 = tpu.memref_slice %arg5[%mul3A_76] : memref<320000xi32, #tpu.memory_space<hbm>> -> memref<80xi32, #tpu.memory_space<hbm>>
        %dma_start3A_96 = tpu.memref_slice %arg5[%mul3A_76] : memref<320000xi32, #tpu.memory_space<hbm>> -> memref<80xi32, #tpu.memory_space<hbm>>
        tpu.enqueue_dma source(%dma_start3A_96 : memref<80xi32, #tpu.memory_space<hbm>>) target(%arg16 : memref<80xi32, #tpu.memory_space<vmem>>) target_semaphore(%run_scoped3A : memref<!tpu.dma_semaphore, #tpu.memory_space<semaphore_mem>>)
        %dma_wait3A_97 = tpu.memref_slice %arg5[%mul3A_76] : memref<320000xi32, #tpu.memory_space<hbm>> -> memref<80xi32, #tpu.memory_space<hbm>>
        %dma_wait3A_98 = tpu.memref_slice %arg5[%mul3A_76] : memref<320000xi32, #tpu.memory_space<hbm>> -> memref<80xi32, #tpu.memory_space<hbm>>
        tpu.wait_dma2 semaphore(%run_scoped3A : memref<!tpu.dma_semaphore, #tpu.memory_space<semaphore_mem>>) src(%dma_wait3A_98 : memref<80xi32, #tpu.memory_space<hbm>>) dst(%arg16 : memref<80xi32, #tpu.memory_space<vmem>>)
        tpu.yield
      }) : () -> ()
      %dma_start3A = arith.constant 0 : i32
      %dma_start3A_77 = arith.constant 0 : i32
      %dma_start3A_78 = tpu.memref_slice %arg2[%dma_start3A, %dma_start3A_77] : memref<20000x128xf32, #tpu.memory_space<hbm>> -> memref<20000x128xf32, #tpu.memory_space<hbm>>
      tpu.enqueue_indirect_dma source(%dma_start3A_78 : memref<20000x128xf32, #tpu.memory_space<hbm>>) target(%arg9 : memref<80x128xf32, #tpu.memory_space<vmem>>) offsets(%arg15 : memref<80xi32, #tpu.memory_space<vmem>>) semaphore(%arg19 : memref<!tpu.dma_semaphore, #tpu.memory_space<semaphore_mem>>)
      %dma_start3A_79 = arith.constant 0 : i32
      %dma_start3A_80 = arith.constant 0 : i32
      %dma_start3A_81 = tpu.memref_slice %arg3[%dma_start3A_79, %dma_start3A_80] : memref<20000x128xf32, #tpu.memory_space<hbm>> -> memref<20000x128xf32, #tpu.memory_space<hbm>>
      tpu.enqueue_indirect_dma source(%dma_start3A_81 : memref<20000x128xf32, #tpu.memory_space<hbm>>) target(%arg10 : memref<80x128xf32, #tpu.memory_space<vmem>>) offsets(%arg16 : memref<80xi32, #tpu.memory_space<vmem>>) semaphore(%arg20 : memref<!tpu.dma_semaphore, #tpu.memory_space<semaphore_mem>>)
      %dma_wait3A = arith.constant 0 : i32
      %dma_wait3A_82 = arith.constant 0 : i32
      %dma_wait3A_83 = tpu.memref_slice %arg2[%dma_wait3A, %dma_wait3A_82] : memref<20000x128xf32, #tpu.memory_space<hbm>> -> memref<20000x128xf32, #tpu.memory_space<hbm>>
      tpu.wait_indirect_dma semaphore(%arg19 : memref<!tpu.dma_semaphore, #tpu.memory_space<semaphore_mem>>) src(%dma_wait3A_83 : memref<20000x128xf32, #tpu.memory_space<hbm>>) dst(%arg9 : memref<80x128xf32, #tpu.memory_space<vmem>>)
      %dma_wait3A_84 = arith.constant 0 : i32
      %dma_wait3A_85 = arith.constant 0 : i32
      %dma_wait3A_86 = tpu.memref_slice %arg3[%dma_wait3A_84, %dma_wait3A_85] : memref<20000x128xf32, #tpu.memory_space<hbm>> -> memref<20000x128xf32, #tpu.memory_space<hbm>>
      tpu.wait_indirect_dma semaphore(%arg20 : memref<!tpu.dma_semaphore, #tpu.memory_space<semaphore_mem>>) src(%dma_wait3A_86 : memref<20000x128xf32, #tpu.memory_space<hbm>>) dst(%arg10 : memref<80x128xf32, #tpu.memory_space<vmem>>)
      %scan3A_87 = arith.constant 0 : i32
      %scan3A_88 = arith.constant 0 : i32
      %scan3A_89 = arith.constant 5 : i32
      %scan3A_90 = arith.addi %scan3A_88, %scan3A_89 : i32
      %scan3A_91 = arith.constant 1 : i32
      %scan3A_92 = scf.for %scan3A_95 = %scan3A_88 to %scan3A_90 step %scan3A_91 iter_args(%scan3A_96 = %scan3A_87) -> (i32)  : i32 {
        %mul3A_97 = arith.constant 8 : i32
        %mul3A_98 = arith.muli %scan3A_95, %mul3A_97 : i32
        %add3A_99 = arith.constant 0 : i32
        %add3A_100 = arith.addi %mul3A_98, %add3A_99 : i32
        %mul3A_101 = arith.constant 2 : i32
        %mul3A_102 = arith.muli %mul3A_101, %add3A_100 : i32
        %add3A_103 = arith.constant 0 : i32
        %add3A_104 = arith.addi %mul3A_102, %add3A_103 : i32
        %get3A = arith.index_cast %add3A_104 : i32 to index
        %get3A_105 = arith.constant 0 : index
        %get3A_106 = tpu.vector_load %arg9[%get3A, %get3A_105] {strides = array<i32>} : memref<80x128xf32, #tpu.memory_space<vmem>>, vector<16xf32>,
        %get3A_107 = arith.index_cast %add3A_104 : i32 to index
        %get3A_108 = arith.constant 0 : index
        %get3A_109 = tpu.vector_load %arg10[%get3A_107, %get3A_108] {strides = array<i32>} : memref<80x128xf32, #tpu.memory_space<vmem>>, vector<16xf32>,
        %mul3A_110 = arith.mulf %get3A_106, %get3A_109 : vector<16xf32>
        %get3A_111 = arith.index_cast %add3A_104 : i32 to index
        %get3A_112 = arith.constant 16 : index
        %get3A_113 = tpu.vector_load %arg9[%get3A_111, %get3A_112] {strides = array<i32>} : memref<80x128xf32, #tpu.memory_space<vmem>>, vector<16xf32>,
        %get3A_114 = arith.index_cast %add3A_104 : i32 to index
        %get3A_115 = arith.constant 16 : index
        %get3A_116 = tpu.vector_load %arg10[%get3A_114, %get3A_115] {strides = array<i32>} : memref<80x128xf32, #tpu.memory_space<vmem>>, vector<16xf32>,
        %mul3A_117 = arith.mulf %get3A_113, %get3A_116 : vector<16xf32>
        %add3A_118 = arith.addf %mul3A_110, %mul3A_117 : vector<16xf32>
        %get3A_119 = arith.index_cast %add3A_104 : i32 to index
        %get3A_120 = arith.constant 32 : index
        %get3A_121 = tpu.vector_load %arg9[%get3A_119, %get3A_120] {strides = array<i32>} : memref<80x128xf32, #tpu.memory_space<vmem>>, vector<16xf32>,
        %get3A_122 = arith.index_cast %add3A_104 : i32 to index
        %get3A_123 = arith.constant 32 : index
        %get3A_124 = tpu.vector_load %arg10[%get3A_122, %get3A_123] {strides = array<i32>} : memref<80x128xf32, #tpu.memory_space<vmem>>, vector<16xf32>,
        %mul3A_125 = arith.mulf %get3A_121, %get3A_124 : vector<16xf32>
        %add3A_126 = arith.addf %add3A_118, %mul3A_125 : vector<16xf32>
        %get3A_127 = arith.index_cast %add3A_104 : i32 to index
        %get3A_128 = arith.constant 48 : index
        %get3A_129 = tpu.vector_load %arg9[%get3A_127, %get3A_128] {strides = array<i32>} : memref<80x128xf32, #tpu.memory_space<vmem>>, vector<16xf32>,
        %get3A_130 = arith.index_cast %add3A_104 : i32 to index
        %get3A_131 = arith.constant 48 : index
        %get3A_132 = tpu.vector_load %arg10[%get3A_130, %get3A_131] {strides = array<i32>} : memref<80x128xf32, #tpu.memory_space<vmem>>, vector<16xf32>,
        %mul3A_133 = arith.mulf %get3A_129, %get3A_132 : vector<16xf32>
        %add3A_134 = arith.addf %add3A_126, %mul3A_133 : vector<16xf32>
        tpu.vector_store_idx %arg13[%iota3A, %broadcast_in_dim3A_5], %add3A_134 : memref<16x16xf32, #tpu.memory_space<vmem>>[vector<16xi32>, vector<16xi32>], vector<16xf32>,
        %mul3A_135 = arith.constant 8 : i32
        %mul3A_136 = arith.muli %scan3A_95, %mul3A_135 : i32
        %add3A_137 = arith.constant 0 : i32
        %add3A_138 = arith.addi %mul3A_136, %add3A_137 : i32
        %mul3A_139 = arith.constant 2 : i32
        %mul3A_140 = arith.muli %mul3A_139, %add3A_138 : i32
        %add3A_141 = arith.constant 0 : i32
        %add3A_142 = arith.addi %mul3A_140, %add3A_141 : i32
        %get3A_143 = arith.index_cast %add3A_142 : i32 to index
        %get3A_144 = arith.constant 64 : index
        %get3A_145 = tpu.vector_load %arg9[%get3A_143, %get3A_144] {strides = array<i32>} : memref<80x128xf32, #tpu.memory_space<vmem>>, vector<16xf32>,
        %get3A_146 = arith.index_cast %add3A_142 : i32 to index
        %get3A_147 = arith.constant 64 : index
        %get3A_148 = tpu.vector_load %arg10[%get3A_146, %get3A_147] {strides = array<i32>} : memref<80x128xf32, #tpu.memory_space<vmem>>, vector<16xf32>,
        %mul3A_149 = arith.mulf %get3A_145, %get3A_148 : vector<16xf32>
        %get3A_150 = arith.index_cast %add3A_142 : i32 to index
        %get3A_151 = arith.constant 80 : index
        %get3A_152 = tpu.vector_load %arg9[%get3A_150, %get3A_151] {strides = array<i32>} : memref<80x128xf32, #tpu.memory_space<vmem>>, vector<16xf32>,
        %get3A_153 = arith.index_cast %add3A_142 : i32 to index
        %get3A_154 = arith.constant 80 : index
        %get3A_155 = tpu.vector_load %arg10[%get3A_153, %get3A_154] {strides = array<i32>} : memref<80x128xf32, #tpu.memory_space<vmem>>, vector<16xf32>,
        %mul3A_156 = arith.mulf %get3A_152, %get3A_155 : vector<16xf32>
        %add3A_157 = arith.addf %mul3A_149, %mul3A_156 : vector<16xf32>
        %get3A_158 = arith.index_cast %add3A_142 : i32 to index
        %get3A_159 = arith.constant 96 : index
        %get3A_160 = tpu.vector_load %arg9[%get3A_158, %get3A_159] {strides = array<i32>} : memref<80x128xf32, #tpu.memory_space<vmem>>, vector<16xf32>,
        %get3A_161 = arith.index_cast %add3A_142 : i32 to index
        %get3A_162 = arith.constant 96 : index
        %get3A_163 = tpu.vector_load %arg10[%get3A_161, %get3A_162] {strides = array<i32>} : memref<80x128xf32, #tpu.memory_space<vmem>>, vector<16xf32>,
        %mul3A_164 = arith.mulf %get3A_160, %get3A_163 : vector<16xf32>
        %add3A_165 = arith.addf %add3A_157, %mul3A_164 : vector<16xf32>
        %get3A_166 = arith.index_cast %add3A_142 : i32 to index
        %get3A_167 = arith.constant 112 : index
        %get3A_168 = tpu.vector_load %arg9[%get3A_166, %get3A_167] {strides = array<i32>} : memref<80x128xf32, #tpu.memory_space<vmem>>, vector<16xf32>,
        %get3A_169 = arith.index_cast %add3A_142 : i32 to index
        %get3A_170 = arith.constant 112 : index
        %get3A_171 = tpu.vector_load %arg10[%get3A_169, %get3A_170] {strides = array<i32>} : memref<80x128xf32, #tpu.memory_space<vmem>>, vector<16xf32>,
        %mul3A_172 = arith.mulf %get3A_168, %get3A_171 : vector<16xf32>
        %add3A_173 = arith.addf %add3A_165, %mul3A_172 : vector<16xf32>
        tpu.vector_store_idx %arg13[%iota3A, %broadcast_in_dim3A_7], %add3A_173 : memref<16x16xf32, #tpu.memory_space<vmem>>[vector<16xi32>, vector<16xi32>], vector<16xf32>,
        %mul3A_174 = arith.constant 8 : i32
        %mul3A_175 = arith.muli %scan3A_95, %mul3A_174 : i32
        %add3A_176 = arith.constant 1 : i32
        %add3A_177 = arith.addi %mul3A_175, %add3A_176 : i32
        %mul3A_178 = arith.constant 2 : i32
        %mul3A_179 = arith.muli %mul3A_178, %add3A_177 : i32
        %add3A_180 = arith.constant 0 : i32
        %add3A_181 = arith.addi %mul3A_179, %add3A_180 : i32
        %get3A_182 = arith.index_cast %add3A_181 : i32 to index
        %get3A_183 = arith.constant 0 : index
        %get3A_184 = tpu.vector_load %arg9[%get3A_182, %get3A_183] {strides = array<i32>} : memref<80x128xf32, #tpu.memory_space<vmem>>, vector<16xf32>,
        %get3A_185 = arith.index_cast %add3A_181 : i32 to index
        %get3A_186 = arith.constant 0 : index
        %get3A_187 = tpu.vector_load %arg10[%get3A_185, %get3A_186] {strides = array<i32>} : memref<80x128xf32, #tpu.memory_space<vmem>>, vector<16xf32>,
        %mul3A_188 = arith.mulf %get3A_184, %get3A_187 : vector<16xf32>
        %get3A_189 = arith.index_cast %add3A_181 : i32 to index
        %get3A_190 = arith.constant 16 : index
        %get3A_191 = tpu.vector_load %arg9[%get3A_189, %get3A_190] {strides = array<i32>} : memref<80x128xf32, #tpu.memory_space<vmem>>, vector<16xf32>,
        %get3A_192 = arith.index_cast %add3A_181 : i32 to index
        %get3A_193 = arith.constant 16 : index
        %get3A_194 = tpu.vector_load %arg10[%get3A_192, %get3A_193] {strides = array<i32>} : memref<80x128xf32, #tpu.memory_space<vmem>>, vector<16xf32>,
        %mul3A_195 = arith.mulf %get3A_191, %get3A_194 : vector<16xf32>
        %add3A_196 = arith.addf %mul3A_188, %mul3A_195 : vector<16xf32>
        %get3A_197 = arith.index_cast %add3A_181 : i32 to index
        %get3A_198 = arith.constant 32 : index
        %get3A_199 = tpu.vector_load %arg9[%get3A_197, %get3A_198] {strides = array<i32>} : memref<80x128xf32, #tpu.memory_space<vmem>>, vector<16xf32>,
        %get3A_200 = arith.index_cast %add3A_181 : i32 to index
        %get3A_201 = arith.constant 32 : index
        %get3A_202 = tpu.vector_load %arg10[%get3A_200, %get3A_201] {strides = array<i32>} : memref<80x128xf32, #tpu.memory_space<vmem>>, vector<16xf32>,
        %mul3A_203 = arith.mulf %get3A_199, %get3A_202 : vector<16xf32>
        %add3A_204 = arith.addf %add3A_196, %mul3A_203 : vector<16xf32>
        %get3A_205 = arith.index_cast %add3A_181 : i32 to index
        %get3A_206 = arith.constant 48 : index
        %get3A_207 = tpu.vector_load %arg9[%get3A_205, %get3A_206] {strides = array<i32>} : memref<80x128xf32, #tpu.memory_space<vmem>>, vector<16xf32>,
        %get3A_208 = arith.index_cast %add3A_181 : i32 to index
        %get3A_209 = arith.constant 48 : index
        %get3A_210 = tpu.vector_load %arg10[%get3A_208, %get3A_209] {strides = array<i32>} : memref<80x128xf32, #tpu.memory_space<vmem>>, vector<16xf32>,
        %mul3A_211 = arith.mulf %get3A_207, %get3A_210 : vector<16xf32>
        %add3A_212 = arith.addf %add3A_204, %mul3A_211 : vector<16xf32>
        tpu.vector_store_idx %arg13[%iota3A, %broadcast_in_dim3A_9], %add3A_212 : memref<16x16xf32, #tpu.memory_space<vmem>>[vector<16xi32>, vector<16xi32>], vector<16xf32>,
        %mul3A_213 = arith.constant 8 : i32
        %mul3A_214 = arith.muli %scan3A_95, %mul3A_213 : i32
        %add3A_215 = arith.constant 1 : i32
        %add3A_216 = arith.addi %mul3A_214, %add3A_215 : i32
        %mul3A_217 = arith.constant 2 : i32
        %mul3A_218 = arith.muli %mul3A_217, %add3A_216 : i32
        %add3A_219 = arith.constant 0 : i32
        %add3A_220 = arith.addi %mul3A_218, %add3A_219 : i32
        %get3A_221 = arith.index_cast %add3A_220 : i32 to index
        %get3A_222 = arith.constant 64 : index
        %get3A_223 = tpu.vector_load %arg9[%get3A_221, %get3A_222] {strides = array<i32>} : memref<80x128xf32, #tpu.memory_space<vmem>>, vector<16xf32>,
        %get3A_224 = arith.index_cast %add3A_220 : i32 to index
        %get3A_225 = arith.constant 64 : index
        %get3A_226 = tpu.vector_load %arg10[%get3A_224, %get3A_225] {strides = array<i32>} : memref<80x128xf32, #tpu.memory_space<vmem>>, vector<16xf32>,
        %mul3A_227 = arith.mulf %get3A_223, %get3A_226 : vector<16xf32>
        %get3A_228 = arith.index_cast %add3A_220 : i32 to index
        %get3A_229 = arith.constant 80 : index
        %get3A_230 = tpu.vector_load %arg9[%get3A_228, %get3A_229] {strides = array<i32>} : memref<80x128xf32, #tpu.memory_space<vmem>>, vector<16xf32>,
        %get3A_231 = arith.index_cast %add3A_220 : i32 to index
        %get3A_232 = arith.constant 80 : index
        %get3A_233 = tpu.vector_load %arg10[%get3A_231, %get3A_232] {strides = array<i32>} : memref<80x128xf32, #tpu.memory_space<vmem>>, vector<16xf32>,
        %mul3A_234 = arith.mulf %get3A_230, %get3A_233 : vector<16xf32>
        %add3A_235 = arith.addf %mul3A_227, %mul3A_234 : vector<16xf32>
        %get3A_236 = arith.index_cast %add3A_220 : i32 to index
        %get3A_237 = arith.constant 96 : index
        %get3A_238 = tpu.vector_load %arg9[%get3A_236, %get3A_237] {strides = array<i32>} : memref<80x128xf32, #tpu.memory_space<vmem>>, vector<16xf32>,
        %get3A_239 = arith.index_cast %add3A_220 : i32 to index
        %get3A_240 = arith.constant 96 : index
        %get3A_241 = tpu.vector_load %arg10[%get3A_239, %get3A_240] {strides = array<i32>} : memref<80x128xf32, #tpu.memory_space<vmem>>, vector<16xf32>,
        %mul3A_242 = arith.mulf %get3A_238, %get3A_241 : vector<16xf32>
        %add3A_243 = arith.addf %add3A_235, %mul3A_242 : vector<16xf32>
        %get3A_244 = arith.index_cast %add3A_220 : i32 to index
        %get3A_245 = arith.constant 112 : index
        %get3A_246 = tpu.vector_load %arg9[%get3A_244, %get3A_245] {strides = array<i32>} : memref<80x128xf32, #tpu.memory_space<vmem>>, vector<16xf32>,
        %get3A_247 = arith.index_cast %add3A_220 : i32 to index
        %get3A_248 = arith.constant 112 : index
        %get3A_249 = tpu.vector_load %arg10[%get3A_247, %get3A_248] {strides = array<i32>} : memref<80x128xf32, #tpu.memory_space<vmem>>, vector<16xf32>,
        %mul3A_250 = arith.mulf %get3A_246, %get3A_249 : vector<16xf32>
        %add3A_251 = arith.addf %add3A_243, %mul3A_250 : vector<16xf32>
        tpu.vector_store_idx %arg13[%iota3A, %broadcast_in_dim3A_11], %add3A_251 : memref<16x16xf32, #tpu.memory_space<vmem>>[vector<16xi32>, vector<16xi32>], vector<16xf32>,
        %mul3A_252 = arith.constant 8 : i32
        %mul3A_253 = arith.muli %scan3A_95, %mul3A_252 : i32
        %add3A_254 = arith.constant 2 : i32
        %add3A_255 = arith.addi %mul3A_253, %add3A_254 : i32
        %mul3A_256 = arith.constant 2 : i32
        %mul3A_257 = arith.muli %mul3A_256, %add3A_255 : i32
        %add3A_258 = arith.constant 0 : i32
        %add3A_259 = arith.addi %mul3A_257, %add3A_258 : i32
        %get3A_260 = arith.index_cast %add3A_259 : i32 to index
        %get3A_261 = arith.constant 0 : index
        %get3A_262 = tpu.vector_load %arg9[%get3A_260, %get3A_261] {strides = array<i32>} : memref<80x128xf32, #tpu.memory_space<vmem>>, vector<16xf32>,
        %get3A_263 = arith.index_cast %add3A_259 : i32 to index
        %get3A_264 = arith.constant 0 : index
        %get3A_265 = tpu.vector_load %arg10[%get3A_263, %get3A_264] {strides = array<i32>} : memref<80x128xf32, #tpu.memory_space<vmem>>, vector<16xf32>,
        %mul3A_266 = arith.mulf %get3A_262, %get3A_265 : vector<16xf32>
        %get3A_267 = arith.index_cast %add3A_259 : i32 to index
        %get3A_268 = arith.constant 16 : index
        %get3A_269 = tpu.vector_load %arg9[%get3A_267, %get3A_268] {strides = array<i32>} : memref<80x128xf32, #tpu.memory_space<vmem>>, vector<16xf32>,
        %get3A_270 = arith.index_cast %add3A_259 : i32 to index
        %get3A_271 = arith.constant 16 : index
        %get3A_272 = tpu.vector_load %arg10[%get3A_270, %get3A_271] {strides = array<i32>} : memref<80x128xf32, #tpu.memory_space<vmem>>, vector<16xf32>,
        %mul3A_273 = arith.mulf %get3A_269, %get3A_272 : vector<16xf32>
        %add3A_274 = arith.addf %mul3A_266, %mul3A_273 : vector<16xf32>
        %get3A_275 = arith.index_cast %add3A_259 : i32 to index
        %get3A_276 = arith.constant 32 : index
        %get3A_277 = tpu.vector_load %arg9[%get3A_275, %get3A_276] {strides = array<i32>} : memref<80x128xf32, #tpu.memory_space<vmem>>, vector<16xf32>,
        %get3A_278 = arith.index_cast %add3A_259 : i32 to index
        %get3A_279 = arith.constant 32 : index
        %get3A_280 = tpu.vector_load %arg10[%get3A_278, %get3A_279] {strides = array<i32>} : memref<80x128xf32, #tpu.memory_space<vmem>>, vector<16xf32>,
        %mul3A_281 = arith.mulf %get3A_277, %get3A_280 : vector<16xf32>
        %add3A_282 = arith.addf %add3A_274, %mul3A_281 : vector<16xf32>
        %get3A_283 = arith.index_cast %add3A_259 : i32 to index
        %get3A_284 = arith.constant 48 : index
        %get3A_285 = tpu.vector_load %arg9[%get3A_283, %get3A_284] {strides = array<i32>} : memref<80x128xf32, #tpu.memory_space<vmem>>, vector<16xf32>,
        %get3A_286 = arith.index_cast %add3A_259 : i32 to index
        %get3A_287 = arith.constant 48 : index
        %get3A_288 = tpu.vector_load %arg10[%get3A_286, %get3A_287] {strides = array<i32>} : memref<80x128xf32, #tpu.memory_space<vmem>>, vector<16xf32>,
        %mul3A_289 = arith.mulf %get3A_285, %get3A_288 : vector<16xf32>
        %add3A_290 = arith.addf %add3A_282, %mul3A_289 : vector<16xf32>
        tpu.vector_store_idx %arg13[%iota3A, %broadcast_in_dim3A_13], %add3A_290 : memref<16x16xf32, #tpu.memory_space<vmem>>[vector<16xi32>, vector<16xi32>], vector<16xf32>,
        %mul3A_291 = arith.constant 8 : i32
        %mul3A_292 = arith.muli %scan3A_95, %mul3A_291 : i32
        %add3A_293 = arith.constant 2 : i32
        %add3A_294 = arith.addi %mul3A_292, %add3A_293 : i32
        %mul3A_295 = arith.constant 2 : i32
        %mul3A_296 = arith.muli %mul3A_295, %add3A_294 : i32
        %add3A_297 = arith.constant 0 : i32
        %add3A_298 = arith.addi %mul3A_296, %add3A_297 : i32
        %get3A_299 = arith.index_cast %add3A_298 : i32 to index
        %get3A_300 = arith.constant 64 : index
        %get3A_301 = tpu.vector_load %arg9[%get3A_299, %get3A_300] {strides = array<i32>} : memref<80x128xf32, #tpu.memory_space<vmem>>, vector<16xf32>,
        %get3A_302 = arith.index_cast %add3A_298 : i32 to index
        %get3A_303 = arith.constant 64 : index
        %get3A_304 = tpu.vector_load %arg10[%get3A_302, %get3A_303] {strides = array<i32>} : memref<80x128xf32, #tpu.memory_space<vmem>>, vector<16xf32>,
        %mul3A_305 = arith.mulf %get3A_301, %get3A_304 : vector<16xf32>
        %get3A_306 = arith.index_cast %add3A_298 : i32 to index
        %get3A_307 = arith.constant 80 : index
        %get3A_308 = tpu.vector_load %arg9[%get3A_306, %get3A_307] {strides = array<i32>} : memref<80x128xf32, #tpu.memory_space<vmem>>, vector<16xf32>,
        %get3A_309 = arith.index_cast %add3A_298 : i32 to index
        %get3A_310 = arith.constant 80 : index
        %get3A_311 = tpu.vector_load %arg10[%get3A_309, %get3A_310] {strides = array<i32>} : memref<80x128xf32, #tpu.memory_space<vmem>>, vector<16xf32>,
        %mul3A_312 = arith.mulf %get3A_308, %get3A_311 : vector<16xf32>
        %add3A_313 = arith.addf %mul3A_305, %mul3A_312 : vector<16xf32>
        %get3A_314 = arith.index_cast %add3A_298 : i32 to index
        %get3A_315 = arith.constant 96 : index
        %get3A_316 = tpu.vector_load %arg9[%get3A_314, %get3A_315] {strides = array<i32>} : memref<80x128xf32, #tpu.memory_space<vmem>>, vector<16xf32>,
        %get3A_317 = arith.index_cast %add3A_298 : i32 to index
        %get3A_318 = arith.constant 96 : index
        %get3A_319 = tpu.vector_load %arg10[%get3A_317, %get3A_318] {strides = array<i32>} : memref<80x128xf32, #tpu.memory_space<vmem>>, vector<16xf32>,
        %mul3A_320 = arith.mulf %get3A_316, %get3A_319 : vector<16xf32>
        %add3A_321 = arith.addf %add3A_313, %mul3A_320 : vector<16xf32>
        %get3A_322 = arith.index_cast %add3A_298 : i32 to index
        %get3A_323 = arith.constant 112 : index
        %get3A_324 = tpu.vector_load %arg9[%get3A_322, %get3A_323] {strides = array<i32>} : memref<80x128xf32, #tpu.memory_space<vmem>>, vector<16xf32>,
        %get3A_325 = arith.index_cast %add3A_298 : i32 to index
        %get3A_326 = arith.constant 112 : index
        %get3A_327 = tpu.vector_load %arg10[%get3A_325, %get3A_326] {strides = array<i32>} : memref<80x128xf32, #tpu.memory_space<vmem>>, vector<16xf32>,
        %mul3A_328 = arith.mulf %get3A_324, %get3A_327 : vector<16xf32>
        %add3A_329 = arith.addf %add3A_321, %mul3A_328 : vector<16xf32>
        tpu.vector_store_idx %arg13[%iota3A, %broadcast_in_dim3A_15], %add3A_329 : memref<16x16xf32, #tpu.memory_space<vmem>>[vector<16xi32>, vector<16xi32>], vector<16xf32>,
        %mul3A_330 = arith.constant 8 : i32
        %mul3A_331 = arith.muli %scan3A_95, %mul3A_330 : i32
        %add3A_332 = arith.constant 3 : i32
        %add3A_333 = arith.addi %mul3A_331, %add3A_332 : i32
        %mul3A_334 = arith.constant 2 : i32
        %mul3A_335 = arith.muli %mul3A_334, %add3A_333 : i32
        %add3A_336 = arith.constant 0 : i32
        %add3A_337 = arith.addi %mul3A_335, %add3A_336 : i32
        %get3A_338 = arith.index_cast %add3A_337 : i32 to index
        %get3A_339 = arith.constant 0 : index
        %get3A_340 = tpu.vector_load %arg9[%get3A_338, %get3A_339] {strides = array<i32>} : memref<80x128xf32, #tpu.memory_space<vmem>>, vector<16xf32>,
        %get3A_341 = arith.index_cast %add3A_337 : i32 to index
        %get3A_342 = arith.constant 0 : index
        %get3A_343 = tpu.vector_load %arg10[%get3A_341, %get3A_342] {strides = array<i32>} : memref<80x128xf32, #tpu.memory_space<vmem>>, vector<16xf32>,
        %mul3A_344 = arith.mulf %get3A_340, %get3A_343 : vector<16xf32>
        %get3A_345 = arith.index_cast %add3A_337 : i32 to index
        %get3A_346 = arith.constant 16 : index
        %get3A_347 = tpu.vector_load %arg9[%get3A_345, %get3A_346] {strides = array<i32>} : memref<80x128xf32, #tpu.memory_space<vmem>>, vector<16xf32>,
        %get3A_348 = arith.index_cast %add3A_337 : i32 to index
        %get3A_349 = arith.constant 16 : index
        %get3A_350 = tpu.vector_load %arg10[%get3A_348, %get3A_349] {strides = array<i32>} : memref<80x128xf32, #tpu.memory_space<vmem>>, vector<16xf32>,
        %mul3A_351 = arith.mulf %get3A_347, %get3A_350 : vector<16xf32>
        %add3A_352 = arith.addf %mul3A_344, %mul3A_351 : vector<16xf32>
        %get3A_353 = arith.index_cast %add3A_337 : i32 to index
        %get3A_354 = arith.constant 32 : index
        %get3A_355 = tpu.vector_load %arg9[%get3A_353, %get3A_354] {strides = array<i32>} : memref<80x128xf32, #tpu.memory_space<vmem>>, vector<16xf32>,
        %get3A_356 = arith.index_cast %add3A_337 : i32 to index
        %get3A_357 = arith.constant 32 : index
        %get3A_358 = tpu.vector_load %arg10[%get3A_356, %get3A_357] {strides = array<i32>} : memref<80x128xf32, #tpu.memory_space<vmem>>, vector<16xf32>,
        %mul3A_359 = arith.mulf %get3A_355, %get3A_358 : vector<16xf32>
        %add3A_360 = arith.addf %add3A_352, %mul3A_359 : vector<16xf32>
        %get3A_361 = arith.index_cast %add3A_337 : i32 to index
        %get3A_362 = arith.constant 48 : index
        %get3A_363 = tpu.vector_load %arg9[%get3A_361, %get3A_362] {strides = array<i32>} : memref<80x128xf32, #tpu.memory_space<vmem>>, vector<16xf32>,
        %get3A_364 = arith.index_cast %add3A_337 : i32 to index
        %get3A_365 = arith.constant 48 : index
        %get3A_366 = tpu.vector_load %arg10[%get3A_364, %get3A_365] {strides = array<i32>} : memref<80x128xf32, #tpu.memory_space<vmem>>, vector<16xf32>,
        %mul3A_367 = arith.mulf %get3A_363, %get3A_366 : vector<16xf32>
        %add3A_368 = arith.addf %add3A_360, %mul3A_367 : vector<16xf32>
        tpu.vector_store_idx %arg13[%iota3A, %broadcast_in_dim3A_17], %add3A_368 : memref<16x16xf32, #tpu.memory_space<vmem>>[vector<16xi32>, vector<16xi32>], vector<16xf32>,
        %mul3A_369 = arith.constant 8 : i32
        %mul3A_370 = arith.muli %scan3A_95, %mul3A_369 : i32
        %add3A_371 = arith.constant 3 : i32
        %add3A_372 = arith.addi %mul3A_370, %add3A_371 : i32
        %mul3A_373 = arith.constant 2 : i32
        %mul3A_374 = arith.muli %mul3A_373, %add3A_372 : i32
        %add3A_375 = arith.constant 0 : i32
        %add3A_376 = arith.addi %mul3A_374, %add3A_375 : i32
        %get3A_377 = arith.index_cast %add3A_376 : i32 to index
        %get3A_378 = arith.constant 64 : index
        %get3A_379 = tpu.vector_load %arg9[%get3A_377, %get3A_378] {strides = array<i32>} : memref<80x128xf32, #tpu.memory_space<vmem>>, vector<16xf32>,
        %get3A_380 = arith.index_cast %add3A_376 : i32 to index
        %get3A_381 = arith.constant 64 : index
        %get3A_382 = tpu.vector_load %arg10[%get3A_380, %get3A_381] {strides = array<i32>} : memref<80x128xf32, #tpu.memory_space<vmem>>, vector<16xf32>,
        %mul3A_383 = arith.mulf %get3A_379, %get3A_382 : vector<16xf32>
        %get3A_384 = arith.index_cast %add3A_376 : i32 to index
        %get3A_385 = arith.constant 80 : index
        %get3A_386 = tpu.vector_load %arg9[%get3A_384, %get3A_385] {strides = array<i32>} : memref<80x128xf32, #tpu.memory_space<vmem>>, vector<16xf32>,
        %get3A_387 = arith.index_cast %add3A_376 : i32 to index
        %get3A_388 = arith.constant 80 : index
        %get3A_389 = tpu.vector_load %arg10[%get3A_387, %get3A_388] {strides = array<i32>} : memref<80x128xf32, #tpu.memory_space<vmem>>, vector<16xf32>,
        %mul3A_390 = arith.mulf %get3A_386, %get3A_389 : vector<16xf32>
        %add3A_391 = arith.addf %mul3A_383, %mul3A_390 : vector<16xf32>
        %get3A_392 = arith.index_cast %add3A_376 : i32 to index
        %get3A_393 = arith.constant 96 : index
        %get3A_394 = tpu.vector_load %arg9[%get3A_392, %get3A_393] {strides = array<i32>} : memref<80x128xf32, #tpu.memory_space<vmem>>, vector<16xf32>,
        %get3A_395 = arith.index_cast %add3A_376 : i32 to index
        %get3A_396 = arith.constant 96 : index
        %get3A_397 = tpu.vector_load %arg10[%get3A_395, %get3A_396] {strides = array<i32>} : memref<80x128xf32, #tpu.memory_space<vmem>>, vector<16xf32>,
        %mul3A_398 = arith.mulf %get3A_394, %get3A_397 : vector<16xf32>
        %add3A_399 = arith.addf %add3A_391, %mul3A_398 : vector<16xf32>
        %get3A_400 = arith.index_cast %add3A_376 : i32 to index
        %get3A_401 = arith.constant 112 : index
        %get3A_402 = tpu.vector_load %arg9[%get3A_400, %get3A_401] {strides = array<i32>} : memref<80x128xf32, #tpu.memory_space<vmem>>, vector<16xf32>,
        %get3A_403 = arith.index_cast %add3A_376 : i32 to index
        %get3A_404 = arith.constant 112 : index
        %get3A_405 = tpu.vector_load %arg10[%get3A_403, %get3A_404] {strides = array<i32>} : memref<80x128xf32, #tpu.memory_space<vmem>>, vector<16xf32>,
        %mul3A_406 = arith.mulf %get3A_402, %get3A_405 : vector<16xf32>
        %add3A_407 = arith.addf %add3A_399, %mul3A_406 : vector<16xf32>
        tpu.vector_store_idx %arg13[%iota3A, %broadcast_in_dim3A_19], %add3A_407 : memref<16x16xf32, #tpu.memory_space<vmem>>[vector<16xi32>, vector<16xi32>], vector<16xf32>,
        %mul3A_408 = arith.constant 8 : i32
        %mul3A_409 = arith.muli %scan3A_95, %mul3A_408 : i32
        %add3A_410 = arith.constant 4 : i32
        %add3A_411 = arith.addi %mul3A_409, %add3A_410 : i32
        %mul3A_412 = arith.constant 2 : i32
        %mul3A_413 = arith.muli %mul3A_412, %add3A_411 : i32
        %add3A_414 = arith.constant 0 : i32
        %add3A_415 = arith.addi %mul3A_413, %add3A_414 : i32
        %get3A_416 = arith.index_cast %add3A_415 : i32 to index
        %get3A_417 = arith.constant 0 : index
        %get3A_418 = tpu.vector_load %arg9[%get3A_416, %get3A_417] {strides = array<i32>} : memref<80x128xf32, #tpu.memory_space<vmem>>, vector<16xf32>,
        %get3A_419 = arith.index_cast %add3A_415 : i32 to index
        %get3A_420 = arith.constant 0 : index
        %get3A_421 = tpu.vector_load %arg10[%get3A_419, %get3A_420] {strides = array<i32>} : memref<80x128xf32, #tpu.memory_space<vmem>>, vector<16xf32>,
        %mul3A_422 = arith.mulf %get3A_418, %get3A_421 : vector<16xf32>
        %get3A_423 = arith.index_cast %add3A_415 : i32 to index
        %get3A_424 = arith.constant 16 : index
        %get3A_425 = tpu.vector_load %arg9[%get3A_423, %get3A_424] {strides = array<i32>} : memref<80x128xf32, #tpu.memory_space<vmem>>, vector<16xf32>,
        %get3A_426 = arith.index_cast %add3A_415 : i32 to index
        %get3A_427 = arith.constant 16 : index
        %get3A_428 = tpu.vector_load %arg10[%get3A_426, %get3A_427] {strides = array<i32>} : memref<80x128xf32, #tpu.memory_space<vmem>>, vector<16xf32>,
        %mul3A_429 = arith.mulf %get3A_425, %get3A_428 : vector<16xf32>
        %add3A_430 = arith.addf %mul3A_422, %mul3A_429 : vector<16xf32>
        %get3A_431 = arith.index_cast %add3A_415 : i32 to index
        %get3A_432 = arith.constant 32 : index
        %get3A_433 = tpu.vector_load %arg9[%get3A_431, %get3A_432] {strides = array<i32>} : memref<80x128xf32, #tpu.memory_space<vmem>>, vector<16xf32>,
        %get3A_434 = arith.index_cast %add3A_415 : i32 to index
        %get3A_435 = arith.constant 32 : index
        %get3A_436 = tpu.vector_load %arg10[%get3A_434, %get3A_435] {strides = array<i32>} : memref<80x128xf32, #tpu.memory_space<vmem>>, vector<16xf32>,
        %mul3A_437 = arith.mulf %get3A_433, %get3A_436 : vector<16xf32>
        %add3A_438 = arith.addf %add3A_430, %mul3A_437 : vector<16xf32>
        %get3A_439 = arith.index_cast %add3A_415 : i32 to index
        %get3A_440 = arith.constant 48 : index
        %get3A_441 = tpu.vector_load %arg9[%get3A_439, %get3A_440] {strides = array<i32>} : memref<80x128xf32, #tpu.memory_space<vmem>>, vector<16xf32>,
        %get3A_442 = arith.index_cast %add3A_415 : i32 to index
        %get3A_443 = arith.constant 48 : index
        %get3A_444 = tpu.vector_load %arg10[%get3A_442, %get3A_443] {strides = array<i32>} : memref<80x128xf32, #tpu.memory_space<vmem>>, vector<16xf32>,
        %mul3A_445 = arith.mulf %get3A_441, %get3A_444 : vector<16xf32>
        %add3A_446 = arith.addf %add3A_438, %mul3A_445 : vector<16xf32>
        tpu.vector_store_idx %arg13[%iota3A, %broadcast_in_dim3A_21], %add3A_446 : memref<16x16xf32, #tpu.memory_space<vmem>>[vector<16xi32>, vector<16xi32>], vector<16xf32>,
        %mul3A_447 = arith.constant 8 : i32
        %mul3A_448 = arith.muli %scan3A_95, %mul3A_447 : i32
        %add3A_449 = arith.constant 4 : i32
        %add3A_450 = arith.addi %mul3A_448, %add3A_449 : i32
        %mul3A_451 = arith.constant 2 : i32
        %mul3A_452 = arith.muli %mul3A_451, %add3A_450 : i32
        %add3A_453 = arith.constant 0 : i32
        %add3A_454 = arith.addi %mul3A_452, %add3A_453 : i32
        %get3A_455 = arith.index_cast %add3A_454 : i32 to index
        %get3A_456 = arith.constant 64 : index
        %get3A_457 = tpu.vector_load %arg9[%get3A_455, %get3A_456] {strides = array<i32>} : memref<80x128xf32, #tpu.memory_space<vmem>>, vector<16xf32>,
        %get3A_458 = arith.index_cast %add3A_454 : i32 to index
        %get3A_459 = arith.constant 64 : index
        %get3A_460 = tpu.vector_load %arg10[%get3A_458, %get3A_459] {strides = array<i32>} : memref<80x128xf32, #tpu.memory_space<vmem>>, vector<16xf32>,
        %mul3A_461 = arith.mulf %get3A_457, %get3A_460 : vector<16xf32>
        %get3A_462 = arith.index_cast %add3A_454 : i32 to index
        %get3A_463 = arith.constant 80 : index
        %get3A_464 = tpu.vector_load %arg9[%get3A_462, %get3A_463] {strides = array<i32>} : memref<80x128xf32, #tpu.memory_space<vmem>>, vector<16xf32>,
        %get3A_465 = arith.index_cast %add3A_454 : i32 to index
        %get3A_466 = arith.constant 80 : index
        %get3A_467 = tpu.vector_load %arg10[%get3A_465, %get3A_466] {strides = array<i32>} : memref<80x128xf32, #tpu.memory_space<vmem>>, vector<16xf32>,
        %mul3A_468 = arith.mulf %get3A_464, %get3A_467 : vector<16xf32>
        %add3A_469 = arith.addf %mul3A_461, %mul3A_468 : vector<16xf32>
        %get3A_470 = arith.index_cast %add3A_454 : i32 to index
        %get3A_471 = arith.constant 96 : index
        %get3A_472 = tpu.vector_load %arg9[%get3A_470, %get3A_471] {strides = array<i32>} : memref<80x128xf32, #tpu.memory_space<vmem>>, vector<16xf32>,
        %get3A_473 = arith.index_cast %add3A_454 : i32 to index
        %get3A_474 = arith.constant 96 : index
        %get3A_475 = tpu.vector_load %arg10[%get3A_473, %get3A_474] {strides = array<i32>} : memref<80x128xf32, #tpu.memory_space<vmem>>, vector<16xf32>,
        %mul3A_476 = arith.mulf %get3A_472, %get3A_475 : vector<16xf32>
        %add3A_477 = arith.addf %add3A_469, %mul3A_476 : vector<16xf32>
        %get3A_478 = arith.index_cast %add3A_454 : i32 to index
        %get3A_479 = arith.constant 112 : index
        %get3A_480 = tpu.vector_load %arg9[%get3A_478, %get3A_479] {strides = array<i32>} : memref<80x128xf32, #tpu.memory_space<vmem>>, vector<16xf32>,
        %get3A_481 = arith.index_cast %add3A_454 : i32 to index
        %get3A_482 = arith.constant 112 : index
        %get3A_483 = tpu.vector_load %arg10[%get3A_481, %get3A_482] {strides = array<i32>} : memref<80x128xf32, #tpu.memory_space<vmem>>, vector<16xf32>,
        %mul3A_484 = arith.mulf %get3A_480, %get3A_483 : vector<16xf32>
        %add3A_485 = arith.addf %add3A_477, %mul3A_484 : vector<16xf32>
        tpu.vector_store_idx %arg13[%iota3A, %broadcast_in_dim3A_23], %add3A_485 : memref<16x16xf32, #tpu.memory_space<vmem>>[vector<16xi32>, vector<16xi32>], vector<16xf32>,
        %mul3A_486 = arith.constant 8 : i32
        %mul3A_487 = arith.muli %scan3A_95, %mul3A_486 : i32
        %add3A_488 = arith.constant 5 : i32
        %add3A_489 = arith.addi %mul3A_487, %add3A_488 : i32
        %mul3A_490 = arith.constant 2 : i32
        %mul3A_491 = arith.muli %mul3A_490, %add3A_489 : i32
        %add3A_492 = arith.constant 0 : i32
        %add3A_493 = arith.addi %mul3A_491, %add3A_492 : i32
        %get3A_494 = arith.index_cast %add3A_493 : i32 to index
        %get3A_495 = arith.constant 0 : index
        %get3A_496 = tpu.vector_load %arg9[%get3A_494, %get3A_495] {strides = array<i32>} : memref<80x128xf32, #tpu.memory_space<vmem>>, vector<16xf32>,
        %get3A_497 = arith.index_cast %add3A_493 : i32 to index
        %get3A_498 = arith.constant 0 : index
        %get3A_499 = tpu.vector_load %arg10[%get3A_497, %get3A_498] {strides = array<i32>} : memref<80x128xf32, #tpu.memory_space<vmem>>, vector<16xf32>,
        %mul3A_500 = arith.mulf %get3A_496, %get3A_499 : vector<16xf32>
        %get3A_501 = arith.index_cast %add3A_493 : i32 to index
        %get3A_502 = arith.constant 16 : index
        %get3A_503 = tpu.vector_load %arg9[%get3A_501, %get3A_502] {strides = array<i32>} : memref<80x128xf32, #tpu.memory_space<vmem>>, vector<16xf32>,
        %get3A_504 = arith.index_cast %add3A_493 : i32 to index
        %get3A_505 = arith.constant 16 : index
        %get3A_506 = tpu.vector_load %arg10[%get3A_504, %get3A_505] {strides = array<i32>} : memref<80x128xf32, #tpu.memory_space<vmem>>, vector<16xf32>,
        %mul3A_507 = arith.mulf %get3A_503, %get3A_506 : vector<16xf32>
        %add3A_508 = arith.addf %mul3A_500, %mul3A_507 : vector<16xf32>
        %get3A_509 = arith.index_cast %add3A_493 : i32 to index
        %get3A_510 = arith.constant 32 : index
        %get3A_511 = tpu.vector_load %arg9[%get3A_509, %get3A_510] {strides = array<i32>} : memref<80x128xf32, #tpu.memory_space<vmem>>, vector<16xf32>,
        %get3A_512 = arith.index_cast %add3A_493 : i32 to index
        %get3A_513 = arith.constant 32 : index
        %get3A_514 = tpu.vector_load %arg10[%get3A_512, %get3A_513] {strides = array<i32>} : memref<80x128xf32, #tpu.memory_space<vmem>>, vector<16xf32>,
        %mul3A_515 = arith.mulf %get3A_511, %get3A_514 : vector<16xf32>
        %add3A_516 = arith.addf %add3A_508, %mul3A_515 : vector<16xf32>
        %get3A_517 = arith.index_cast %add3A_493 : i32 to index
        %get3A_518 = arith.constant 48 : index
        %get3A_519 = tpu.vector_load %arg9[%get3A_517, %get3A_518] {strides = array<i32>} : memref<80x128xf32, #tpu.memory_space<vmem>>, vector<16xf32>,
        %get3A_520 = arith.index_cast %add3A_493 : i32 to index
        %get3A_521 = arith.constant 48 : index
        %get3A_522 = tpu.vector_load %arg10[%get3A_520, %get3A_521] {strides = array<i32>} : memref<80x128xf32, #tpu.memory_space<vmem>>, vector<16xf32>,
        %mul3A_523 = arith.mulf %get3A_519, %get3A_522 : vector<16xf32>
        %add3A_524 = arith.addf %add3A_516, %mul3A_523 : vector<16xf32>
        tpu.vector_store_idx %arg13[%iota3A, %broadcast_in_dim3A_25], %add3A_524 : memref<16x16xf32, #tpu.memory_space<vmem>>[vector<16xi32>, vector<16xi32>], vector<16xf32>,
        %mul3A_525 = arith.constant 8 : i32
        %mul3A_526 = arith.muli %scan3A_95, %mul3A_525 : i32
        %add3A_527 = arith.constant 5 : i32
        %add3A_528 = arith.addi %mul3A_526, %add3A_527 : i32
        %mul3A_529 = arith.constant 2 : i32
        %mul3A_530 = arith.muli %mul3A_529, %add3A_528 : i32
        %add3A_531 = arith.constant 0 : i32
        %add3A_532 = arith.addi %mul3A_530, %add3A_531 : i32
        %get3A_533 = arith.index_cast %add3A_532 : i32 to index
        %get3A_534 = arith.constant 64 : index
        %get3A_535 = tpu.vector_load %arg9[%get3A_533, %get3A_534] {strides = array<i32>} : memref<80x128xf32, #tpu.memory_space<vmem>>, vector<16xf32>,
        %get3A_536 = arith.index_cast %add3A_532 : i32 to index
        %get3A_537 = arith.constant 64 : index
        %get3A_538 = tpu.vector_load %arg10[%get3A_536, %get3A_537] {strides = array<i32>} : memref<80x128xf32, #tpu.memory_space<vmem>>, vector<16xf32>,
        %mul3A_539 = arith.mulf %get3A_535, %get3A_538 : vector<16xf32>
        %get3A_540 = arith.index_cast %add3A_532 : i32 to index
        %get3A_541 = arith.constant 80 : index
        %get3A_542 = tpu.vector_load %arg9[%get3A_540, %get3A_541] {strides = array<i32>} : memref<80x128xf32, #tpu.memory_space<vmem>>, vector<16xf32>,
        %get3A_543 = arith.index_cast %add3A_532 : i32 to index
        %get3A_544 = arith.constant 80 : index
        %get3A_545 = tpu.vector_load %arg10[%get3A_543, %get3A_544] {strides = array<i32>} : memref<80x128xf32, #tpu.memory_space<vmem>>, vector<16xf32>,
        %mul3A_546 = arith.mulf %get3A_542, %get3A_545 : vector<16xf32>
        %add3A_547 = arith.addf %mul3A_539, %mul3A_546 : vector<16xf32>
        %get3A_548 = arith.index_cast %add3A_532 : i32 to index
        %get3A_549 = arith.constant 96 : index
        %get3A_550 = tpu.vector_load %arg9[%get3A_548, %get3A_549] {strides = array<i32>} : memref<80x128xf32, #tpu.memory_space<vmem>>, vector<16xf32>,
        %get3A_551 = arith.index_cast %add3A_532 : i32 to index
        %get3A_552 = arith.constant 96 : index
        %get3A_553 = tpu.vector_load %arg10[%get3A_551, %get3A_552] {strides = array<i32>} : memref<80x128xf32, #tpu.memory_space<vmem>>, vector<16xf32>,
        %mul3A_554 = arith.mulf %get3A_550, %get3A_553 : vector<16xf32>
        %add3A_555 = arith.addf %add3A_547, %mul3A_554 : vector<16xf32>
        %get3A_556 = arith.index_cast %add3A_532 : i32 to index
        %get3A_557 = arith.constant 112 : index
        %get3A_558 = tpu.vector_load %arg9[%get3A_556, %get3A_557] {strides = array<i32>} : memref<80x128xf32, #tpu.memory_space<vmem>>, vector<16xf32>,
        %get3A_559 = arith.index_cast %add3A_532 : i32 to index
        %get3A_560 = arith.constant 112 : index
        %get3A_561 = tpu.vector_load %arg10[%get3A_559, %get3A_560] {strides = array<i32>} : memref<80x128xf32, #tpu.memory_space<vmem>>, vector<16xf32>,
        %mul3A_562 = arith.mulf %get3A_558, %get3A_561 : vector<16xf32>
        %add3A_563 = arith.addf %add3A_555, %mul3A_562 : vector<16xf32>
        tpu.vector_store_idx %arg13[%iota3A, %broadcast_in_dim3A_27], %add3A_563 : memref<16x16xf32, #tpu.memory_space<vmem>>[vector<16xi32>, vector<16xi32>], vector<16xf32>,
        %mul3A_564 = arith.constant 8 : i32
        %mul3A_565 = arith.muli %scan3A_95, %mul3A_564 : i32
        %add3A_566 = arith.constant 6 : i32
        %add3A_567 = arith.addi %mul3A_565, %add3A_566 : i32
        %mul3A_568 = arith.constant 2 : i32
        %mul3A_569 = arith.muli %mul3A_568, %add3A_567 : i32
        %add3A_570 = arith.constant 0 : i32
        %add3A_571 = arith.addi %mul3A_569, %add3A_570 : i32
        %get3A_572 = arith.index_cast %add3A_571 : i32 to index
        %get3A_573 = arith.constant 0 : index
        %get3A_574 = tpu.vector_load %arg9[%get3A_572, %get3A_573] {strides = array<i32>} : memref<80x128xf32, #tpu.memory_space<vmem>>, vector<16xf32>,
        %get3A_575 = arith.index_cast %add3A_571 : i32 to index
        %get3A_576 = arith.constant 0 : index
        %get3A_577 = tpu.vector_load %arg10[%get3A_575, %get3A_576] {strides = array<i32>} : memref<80x128xf32, #tpu.memory_space<vmem>>, vector<16xf32>,
        %mul3A_578 = arith.mulf %get3A_574, %get3A_577 : vector<16xf32>
        %get3A_579 = arith.index_cast %add3A_571 : i32 to index
        %get3A_580 = arith.constant 16 : index
        %get3A_581 = tpu.vector_load %arg9[%get3A_579, %get3A_580] {strides = array<i32>} : memref<80x128xf32, #tpu.memory_space<vmem>>, vector<16xf32>,
        %get3A_582 = arith.index_cast %add3A_571 : i32 to index
        %get3A_583 = arith.constant 16 : index
        %get3A_584 = tpu.vector_load %arg10[%get3A_582, %get3A_583] {strides = array<i32>} : memref<80x128xf32, #tpu.memory_space<vmem>>, vector<16xf32>,
        %mul3A_585 = arith.mulf %get3A_581, %get3A_584 : vector<16xf32>
        %add3A_586 = arith.addf %mul3A_578, %mul3A_585 : vector<16xf32>
        %get3A_587 = arith.index_cast %add3A_571 : i32 to index
        %get3A_588 = arith.constant 32 : index
        %get3A_589 = tpu.vector_load %arg9[%get3A_587, %get3A_588] {strides = array<i32>} : memref<80x128xf32, #tpu.memory_space<vmem>>, vector<16xf32>,
        %get3A_590 = arith.index_cast %add3A_571 : i32 to index
        %get3A_591 = arith.constant 32 : index
        %get3A_592 = tpu.vector_load %arg10[%get3A_590, %get3A_591] {strides = array<i32>} : memref<80x128xf32, #tpu.memory_space<vmem>>, vector<16xf32>,
        %mul3A_593 = arith.mulf %get3A_589, %get3A_592 : vector<16xf32>
        %add3A_594 = arith.addf %add3A_586, %mul3A_593 : vector<16xf32>
        %get3A_595 = arith.index_cast %add3A_571 : i32 to index
        %get3A_596 = arith.constant 48 : index
        %get3A_597 = tpu.vector_load %arg9[%get3A_595, %get3A_596] {strides = array<i32>} : memref<80x128xf32, #tpu.memory_space<vmem>>, vector<16xf32>,
        %get3A_598 = arith.index_cast %add3A_571 : i32 to index
        %get3A_599 = arith.constant 48 : index
        %get3A_600 = tpu.vector_load %arg10[%get3A_598, %get3A_599] {strides = array<i32>} : memref<80x128xf32, #tpu.memory_space<vmem>>, vector<16xf32>,
        %mul3A_601 = arith.mulf %get3A_597, %get3A_600 : vector<16xf32>
        %add3A_602 = arith.addf %add3A_594, %mul3A_601 : vector<16xf32>
        tpu.vector_store_idx %arg13[%iota3A, %broadcast_in_dim3A_29], %add3A_602 : memref<16x16xf32, #tpu.memory_space<vmem>>[vector<16xi32>, vector<16xi32>], vector<16xf32>,
        %mul3A_603 = arith.constant 8 : i32
        %mul3A_604 = arith.muli %scan3A_95, %mul3A_603 : i32
        %add3A_605 = arith.constant 6 : i32
        %add3A_606 = arith.addi %mul3A_604, %add3A_605 : i32
        %mul3A_607 = arith.constant 2 : i32
        %mul3A_608 = arith.muli %mul3A_607, %add3A_606 : i32
        %add3A_609 = arith.constant 0 : i32
        %add3A_610 = arith.addi %mul3A_608, %add3A_609 : i32
        %get3A_611 = arith.index_cast %add3A_610 : i32 to index
        %get3A_612 = arith.constant 64 : index
        %get3A_613 = tpu.vector_load %arg9[%get3A_611, %get3A_612] {strides = array<i32>} : memref<80x128xf32, #tpu.memory_space<vmem>>, vector<16xf32>,
        %get3A_614 = arith.index_cast %add3A_610 : i32 to index
        %get3A_615 = arith.constant 64 : index
        %get3A_616 = tpu.vector_load %arg10[%get3A_614, %get3A_615] {strides = array<i32>} : memref<80x128xf32, #tpu.memory_space<vmem>>, vector<16xf32>,
        %mul3A_617 = arith.mulf %get3A_613, %get3A_616 : vector<16xf32>
        %get3A_618 = arith.index_cast %add3A_610 : i32 to index
        %get3A_619 = arith.constant 80 : index
        %get3A_620 = tpu.vector_load %arg9[%get3A_618, %get3A_619] {strides = array<i32>} : memref<80x128xf32, #tpu.memory_space<vmem>>, vector<16xf32>,
        %get3A_621 = arith.index_cast %add3A_610 : i32 to index
        %get3A_622 = arith.constant 80 : index
        %get3A_623 = tpu.vector_load %arg10[%get3A_621, %get3A_622] {strides = array<i32>} : memref<80x128xf32, #tpu.memory_space<vmem>>, vector<16xf32>,
        %mul3A_624 = arith.mulf %get3A_620, %get3A_623 : vector<16xf32>
        %add3A_625 = arith.addf %mul3A_617, %mul3A_624 : vector<16xf32>
        %get3A_626 = arith.index_cast %add3A_610 : i32 to index
        %get3A_627 = arith.constant 96 : index
        %get3A_628 = tpu.vector_load %arg9[%get3A_626, %get3A_627] {strides = array<i32>} : memref<80x128xf32, #tpu.memory_space<vmem>>, vector<16xf32>,
        %get3A_629 = arith.index_cast %add3A_610 : i32 to index
        %get3A_630 = arith.constant 96 : index
        %get3A_631 = tpu.vector_load %arg10[%get3A_629, %get3A_630] {strides = array<i32>} : memref<80x128xf32, #tpu.memory_space<vmem>>, vector<16xf32>,
        %mul3A_632 = arith.mulf %get3A_628, %get3A_631 : vector<16xf32>
        %add3A_633 = arith.addf %add3A_625, %mul3A_632 : vector<16xf32>
        %get3A_634 = arith.index_cast %add3A_610 : i32 to index
        %get3A_635 = arith.constant 112 : index
        %get3A_636 = tpu.vector_load %arg9[%get3A_634, %get3A_635] {strides = array<i32>} : memref<80x128xf32, #tpu.memory_space<vmem>>, vector<16xf32>,
        %get3A_637 = arith.index_cast %add3A_610 : i32 to index
        %get3A_638 = arith.constant 112 : index
        %get3A_639 = tpu.vector_load %arg10[%get3A_637, %get3A_638] {strides = array<i32>} : memref<80x128xf32, #tpu.memory_space<vmem>>, vector<16xf32>,
        %mul3A_640 = arith.mulf %get3A_636, %get3A_639 : vector<16xf32>
        %add3A_641 = arith.addf %add3A_633, %mul3A_640 : vector<16xf32>
        tpu.vector_store_idx %arg13[%iota3A, %broadcast_in_dim3A_31], %add3A_641 : memref<16x16xf32, #tpu.memory_space<vmem>>[vector<16xi32>, vector<16xi32>], vector<16xf32>,
        %mul3A_642 = arith.constant 8 : i32
        %mul3A_643 = arith.muli %scan3A_95, %mul3A_642 : i32
        %add3A_644 = arith.constant 7 : i32
        %add3A_645 = arith.addi %mul3A_643, %add3A_644 : i32
        %mul3A_646 = arith.constant 2 : i32
        %mul3A_647 = arith.muli %mul3A_646, %add3A_645 : i32
        %add3A_648 = arith.constant 0 : i32
        %add3A_649 = arith.addi %mul3A_647, %add3A_648 : i32
        %get3A_650 = arith.index_cast %add3A_649 : i32 to index
        %get3A_651 = arith.constant 0 : index
        %get3A_652 = tpu.vector_load %arg9[%get3A_650, %get3A_651] {strides = array<i32>} : memref<80x128xf32, #tpu.memory_space<vmem>>, vector<16xf32>,
        %get3A_653 = arith.index_cast %add3A_649 : i32 to index
        %get3A_654 = arith.constant 0 : index
        %get3A_655 = tpu.vector_load %arg10[%get3A_653, %get3A_654] {strides = array<i32>} : memref<80x128xf32, #tpu.memory_space<vmem>>, vector<16xf32>,
        %mul3A_656 = arith.mulf %get3A_652, %get3A_655 : vector<16xf32>
        %get3A_657 = arith.index_cast %add3A_649 : i32 to index
        %get3A_658 = arith.constant 16 : index
        %get3A_659 = tpu.vector_load %arg9[%get3A_657, %get3A_658] {strides = array<i32>} : memref<80x128xf32, #tpu.memory_space<vmem>>, vector<16xf32>,
        %get3A_660 = arith.index_cast %add3A_649 : i32 to index
        %get3A_661 = arith.constant 16 : index
        %get3A_662 = tpu.vector_load %arg10[%get3A_660, %get3A_661] {strides = array<i32>} : memref<80x128xf32, #tpu.memory_space<vmem>>, vector<16xf32>,
        %mul3A_663 = arith.mulf %get3A_659, %get3A_662 : vector<16xf32>
        %add3A_664 = arith.addf %mul3A_656, %mul3A_663 : vector<16xf32>
        %get3A_665 = arith.index_cast %add3A_649 : i32 to index
        %get3A_666 = arith.constant 32 : index
        %get3A_667 = tpu.vector_load %arg9[%get3A_665, %get3A_666] {strides = array<i32>} : memref<80x128xf32, #tpu.memory_space<vmem>>, vector<16xf32>,
        %get3A_668 = arith.index_cast %add3A_649 : i32 to index
        %get3A_669 = arith.constant 32 : index
        %get3A_670 = tpu.vector_load %arg10[%get3A_668, %get3A_669] {strides = array<i32>} : memref<80x128xf32, #tpu.memory_space<vmem>>, vector<16xf32>,
        %mul3A_671 = arith.mulf %get3A_667, %get3A_670 : vector<16xf32>
        %add3A_672 = arith.addf %add3A_664, %mul3A_671 : vector<16xf32>
        %get3A_673 = arith.index_cast %add3A_649 : i32 to index
        %get3A_674 = arith.constant 48 : index
        %get3A_675 = tpu.vector_load %arg9[%get3A_673, %get3A_674] {strides = array<i32>} : memref<80x128xf32, #tpu.memory_space<vmem>>, vector<16xf32>,
        %get3A_676 = arith.index_cast %add3A_649 : i32 to index
        %get3A_677 = arith.constant 48 : index
        %get3A_678 = tpu.vector_load %arg10[%get3A_676, %get3A_677] {strides = array<i32>} : memref<80x128xf32, #tpu.memory_space<vmem>>, vector<16xf32>,
        %mul3A_679 = arith.mulf %get3A_675, %get3A_678 : vector<16xf32>
        %add3A_680 = arith.addf %add3A_672, %mul3A_679 : vector<16xf32>
        tpu.vector_store_idx %arg13[%iota3A, %broadcast_in_dim3A_33], %add3A_680 : memref<16x16xf32, #tpu.memory_space<vmem>>[vector<16xi32>, vector<16xi32>], vector<16xf32>,
        %mul3A_681 = arith.constant 8 : i32
        %mul3A_682 = arith.muli %scan3A_95, %mul3A_681 : i32
        %add3A_683 = arith.constant 7 : i32
        %add3A_684 = arith.addi %mul3A_682, %add3A_683 : i32
        %mul3A_685 = arith.constant 2 : i32
        %mul3A_686 = arith.muli %mul3A_685, %add3A_684 : i32
        %add3A_687 = arith.constant 0 : i32
        %add3A_688 = arith.addi %mul3A_686, %add3A_687 : i32
        %get3A_689 = arith.index_cast %add3A_688 : i32 to index
        %get3A_690 = arith.constant 64 : index
        %get3A_691 = tpu.vector_load %arg9[%get3A_689, %get3A_690] {strides = array<i32>} : memref<80x128xf32, #tpu.memory_space<vmem>>, vector<16xf32>,
        %get3A_692 = arith.index_cast %add3A_688 : i32 to index
        %get3A_693 = arith.constant 64 : index
        %get3A_694 = tpu.vector_load %arg10[%get3A_692, %get3A_693] {strides = array<i32>} : memref<80x128xf32, #tpu.memory_space<vmem>>, vector<16xf32>,
        %mul3A_695 = arith.mulf %get3A_691, %get3A_694 : vector<16xf32>
        %get3A_696 = arith.index_cast %add3A_688 : i32 to index
        %get3A_697 = arith.constant 80 : index
        %get3A_698 = tpu.vector_load %arg9[%get3A_696, %get3A_697] {strides = array<i32>} : memref<80x128xf32, #tpu.memory_space<vmem>>, vector<16xf32>,
        %get3A_699 = arith.index_cast %add3A_688 : i32 to index
        %get3A_700 = arith.constant 80 : index
        %get3A_701 = tpu.vector_load %arg10[%get3A_699, %get3A_700] {strides = array<i32>} : memref<80x128xf32, #tpu.memory_space<vmem>>, vector<16xf32>,
        %mul3A_702 = arith.mulf %get3A_698, %get3A_701 : vector<16xf32>
        %add3A_703 = arith.addf %mul3A_695, %mul3A_702 : vector<16xf32>
        %get3A_704 = arith.index_cast %add3A_688 : i32 to index
        %get3A_705 = arith.constant 96 : index
        %get3A_706 = tpu.vector_load %arg9[%get3A_704, %get3A_705] {strides = array<i32>} : memref<80x128xf32, #tpu.memory_space<vmem>>, vector<16xf32>,
        %get3A_707 = arith.index_cast %add3A_688 : i32 to index
        %get3A_708 = arith.constant 96 : index
        %get3A_709 = tpu.vector_load %arg10[%get3A_707, %get3A_708] {strides = array<i32>} : memref<80x128xf32, #tpu.memory_space<vmem>>, vector<16xf32>,
        %mul3A_710 = arith.mulf %get3A_706, %get3A_709 : vector<16xf32>
        %add3A_711 = arith.addf %add3A_703, %mul3A_710 : vector<16xf32>
        %get3A_712 = arith.index_cast %add3A_688 : i32 to index
        %get3A_713 = arith.constant 112 : index
        %get3A_714 = tpu.vector_load %arg9[%get3A_712, %get3A_713] {strides = array<i32>} : memref<80x128xf32, #tpu.memory_space<vmem>>, vector<16xf32>,
        %get3A_715 = arith.index_cast %add3A_688 : i32 to index
        %get3A_716 = arith.constant 112 : index
        %get3A_717 = tpu.vector_load %arg10[%get3A_715, %get3A_716] {strides = array<i32>} : memref<80x128xf32, #tpu.memory_space<vmem>>, vector<16xf32>,
        %mul3A_718 = arith.mulf %get3A_714, %get3A_717 : vector<16xf32>
        %add3A_719 = arith.addf %add3A_711, %mul3A_718 : vector<16xf32>
        tpu.vector_store_idx %arg13[%iota3A, %broadcast_in_dim3A_35], %add3A_719 : memref<16x16xf32, #tpu.memory_space<vmem>>[vector<16xi32>, vector<16xi32>], vector<16xf32>,
        %get3A_720 = arith.constant 0 : i32
        %get3A_721 = arith.index_cast %get3A_720 : i32 to index
        %get3A_722 = arith.constant 0 : index
        %get3A_723 = tpu.vector_load %arg13[%get3A_721, %get3A_722] {strides = array<i32>} : memref<16x16xf32, #tpu.memory_space<vmem>>, vector<16xf32>,
        %get3A_724 = arith.constant 1 : i32
        %get3A_725 = arith.index_cast %get3A_724 : i32 to index
        %get3A_726 = arith.constant 0 : index
        %get3A_727 = tpu.vector_load %arg13[%get3A_725, %get3A_726] {strides = array<i32>} : memref<16x16xf32, #tpu.memory_space<vmem>>, vector<16xf32>,
        %add3A_728 = arith.addf %get3A_723, %get3A_727 : vector<16xf32>
        %get3A_729 = arith.constant 2 : i32
        %get3A_730 = arith.index_cast %get3A_729 : i32 to index
        %get3A_731 = arith.constant 0 : index
        %get3A_732 = tpu.vector_load %arg13[%get3A_730, %get3A_731] {strides = array<i32>} : memref<16x16xf32, #tpu.memory_space<vmem>>, vector<16xf32>,
        %add3A_733 = arith.addf %add3A_728, %get3A_732 : vector<16xf32>
        %get3A_734 = arith.constant 3 : i32
        %get3A_735 = arith.index_cast %get3A_734 : i32 to index
        %get3A_736 = arith.constant 0 : index
        %get3A_737 = tpu.vector_load %arg13[%get3A_735, %get3A_736] {strides = array<i32>} : memref<16x16xf32, #tpu.memory_space<vmem>>, vector<16xf32>,
        %add3A_738 = arith.addf %add3A_733, %get3A_737 : vector<16xf32>
        %get3A_739 = arith.constant 4 : i32
        %get3A_740 = arith.index_cast %get3A_739 : i32 to index
        %get3A_741 = arith.constant 0 : index
        %get3A_742 = tpu.vector_load %arg13[%get3A_740, %get3A_741] {strides = array<i32>} : memref<16x16xf32, #tpu.memory_space<vmem>>, vector<16xf32>,
        %add3A_743 = arith.addf %add3A_738, %get3A_742 : vector<16xf32>
        %get3A_744 = arith.constant 5 : i32
        %get3A_745 = arith.index_cast %get3A_744 : i32 to index
        %get3A_746 = arith.constant 0 : index
        %get3A_747 = tpu.vector_load %arg13[%get3A_745, %get3A_746] {strides = array<i32>} : memref<16x16xf32, #tpu.memory_space<vmem>>, vector<16xf32>,
        %add3A_748 = arith.addf %add3A_743, %get3A_747 : vector<16xf32>
        %get3A_749 = arith.constant 6 : i32
        %get3A_750 = arith.index_cast %get3A_749 : i32 to index
        %get3A_751 = arith.constant 0 : index
        %get3A_752 = tpu.vector_load %arg13[%get3A_750, %get3A_751] {strides = array<i32>} : memref<16x16xf32, #tpu.memory_space<vmem>>, vector<16xf32>,
        %add3A_753 = arith.addf %add3A_748, %get3A_752 : vector<16xf32>
        %get3A_754 = arith.constant 7 : i32
        %get3A_755 = arith.index_cast %get3A_754 : i32 to index
        %get3A_756 = arith.constant 0 : index
        %get3A_757 = tpu.vector_load %arg13[%get3A_755, %get3A_756] {strides = array<i32>} : memref<16x16xf32, #tpu.memory_space<vmem>>, vector<16xf32>,
        %add3A_758 = arith.addf %add3A_753, %get3A_757 : vector<16xf32>
        %get3A_759 = arith.constant 8 : i32
        %get3A_760 = arith.index_cast %get3A_759 : i32 to index
        %get3A_761 = arith.constant 0 : index
        %get3A_762 = tpu.vector_load %arg13[%get3A_760, %get3A_761] {strides = array<i32>} : memref<16x16xf32, #tpu.memory_space<vmem>>, vector<16xf32>,
        %add3A_763 = arith.addf %add3A_758, %get3A_762 : vector<16xf32>
        %get3A_764 = arith.constant 9 : i32
        %get3A_765 = arith.index_cast %get3A_764 : i32 to index
        %get3A_766 = arith.constant 0 : index
        %get3A_767 = tpu.vector_load %arg13[%get3A_765, %get3A_766] {strides = array<i32>} : memref<16x16xf32, #tpu.memory_space<vmem>>, vector<16xf32>,
        %add3A_768 = arith.addf %add3A_763, %get3A_767 : vector<16xf32>
        %get3A_769 = arith.constant 10 : i32
        %get3A_770 = arith.index_cast %get3A_769 : i32 to index
        %get3A_771 = arith.constant 0 : index
        %get3A_772 = tpu.vector_load %arg13[%get3A_770, %get3A_771] {strides = array<i32>} : memref<16x16xf32, #tpu.memory_space<vmem>>, vector<16xf32>,
        %add3A_773 = arith.addf %add3A_768, %get3A_772 : vector<16xf32>
        %get3A_774 = arith.constant 11 : i32
        %get3A_775 = arith.index_cast %get3A_774 : i32 to index
        %get3A_776 = arith.constant 0 : index
        %get3A_777 = tpu.vector_load %arg13[%get3A_775, %get3A_776] {strides = array<i32>} : memref<16x16xf32, #tpu.memory_space<vmem>>, vector<16xf32>,
        %add3A_778 = arith.addf %add3A_773, %get3A_777 : vector<16xf32>
        %get3A_779 = arith.constant 12 : i32
        %get3A_780 = arith.index_cast %get3A_779 : i32 to index
        %get3A_781 = arith.constant 0 : index
        %get3A_782 = tpu.vector_load %arg13[%get3A_780, %get3A_781] {strides = array<i32>} : memref<16x16xf32, #tpu.memory_space<vmem>>, vector<16xf32>,
        %add3A_783 = arith.addf %add3A_778, %get3A_782 : vector<16xf32>
        %get3A_784 = arith.constant 13 : i32
        %get3A_785 = arith.index_cast %get3A_784 : i32 to index
        %get3A_786 = arith.constant 0 : index
        %get3A_787 = tpu.vector_load %arg13[%get3A_785, %get3A_786] {strides = array<i32>} : memref<16x16xf32, #tpu.memory_space<vmem>>, vector<16xf32>,
        %add3A_788 = arith.addf %add3A_783, %get3A_787 : vector<16xf32>
        %get3A_789 = arith.constant 14 : i32
        %get3A_790 = arith.index_cast %get3A_789 : i32 to index
        %get3A_791 = arith.constant 0 : index
        %get3A_792 = tpu.vector_load %arg13[%get3A_790, %get3A_791] {strides = array<i32>} : memref<16x16xf32, #tpu.memory_space<vmem>>, vector<16xf32>,
        %add3A_793 = arith.addf %add3A_788, %get3A_792 : vector<16xf32>
        %get3A_794 = arith.constant 15 : i32
        %get3A_795 = arith.index_cast %get3A_794 : i32 to index
        %get3A_796 = arith.constant 0 : index
        %get3A_797 = tpu.vector_load %arg13[%get3A_795, %get3A_796] {strides = array<i32>} : memref<16x16xf32, #tpu.memory_space<vmem>>, vector<16xf32>,
        %add3A_798 = arith.addf %add3A_793, %get3A_797 : vector<16xf32>
        %mul3A_799 = arith.constant 1.250000e-01 : f32
        %mul3A_800 = vector.broadcast %mul3A_799 : f32 to vector<16xf32>
        %mul3A_801 = arith.mulf %add3A_798, %mul3A_800 : vector<16xf32>
        %exp3A = math.exp %mul3A_801 : vector<16xf32>
        %mul3A_802 = arith.constant 8 : i32
        %mul3A_803 = arith.muli %scan3A_95, %mul3A_802 : i32
        %add3A_804 = vector.broadcast %mul3A_803 : i32 to vector<16xi32>
        %add3A_805 = arith.addi %add3A_804, %shift_right_arithmetic3A_2 : vector<16xi32>
        %add3A_806 = arith.constant 0 : i32
        %add3A_807 = vector.broadcast %add3A_806 : i32 to vector<16xi32>
        %add3A_808 = arith.addi %add3A_807, %and3A_4 : vector<16xi32>
        tpu.vector_store_idx %arg11[%add3A_805, %add3A_808], %exp3A : memref<40x16xf32, #tpu.memory_space<vmem>>[vector<16xi32>, vector<16xi32>], vector<16xf32>,
        %mul3A_809 = arith.constant 8 : i32
        %mul3A_810 = arith.muli %scan3A_95, %mul3A_809 : i32
        %add3A_811 = vector.broadcast %mul3A_810 : i32 to vector<16xi32>
        %add3A_812 = arith.addi %add3A_811, %shift_right_arithmetic3A_2 : vector<16xi32>
        %add3A_813 = arith.constant 0 : i32
        %add3A_814 = vector.broadcast %add3A_813 : i32 to vector<16xi32>
        %add3A_815 = arith.addi %add3A_814, %and3A_4 : vector<16xi32>
        tpu.vector_store_idx %arg12[%add3A_812, %add3A_815], %exp3A : memref<40x128xf32, #tpu.memory_space<vmem>>[vector<16xi32>, vector<16xi32>], vector<16xf32>,
        %mul3A_816 = arith.constant 8 : i32
        %mul3A_817 = arith.muli %scan3A_95, %mul3A_816 : i32
        %add3A_818 = arith.constant 0 : i32
        %add3A_819 = arith.addi %mul3A_817, %add3A_818 : i32
        %mul3A_820 = arith.constant 2 : i32
        %mul3A_821 = arith.muli %mul3A_820, %add3A_819 : i32
        %add3A_822 = arith.constant 1 : i32
        %add3A_823 = arith.addi %mul3A_821, %add3A_822 : i32
        %get3A_824 = arith.index_cast %add3A_823 : i32 to index
        %get3A_825 = arith.constant 0 : index
        %get3A_826 = tpu.vector_load %arg9[%get3A_824, %get3A_825] {strides = array<i32>} : memref<80x128xf32, #tpu.memory_space<vmem>>, vector<16xf32>,
        %get3A_827 = arith.index_cast %add3A_823 : i32 to index
        %get3A_828 = arith.constant 0 : index
        %get3A_829 = tpu.vector_load %arg10[%get3A_827, %get3A_828] {strides = array<i32>} : memref<80x128xf32, #tpu.memory_space<vmem>>, vector<16xf32>,
        %mul3A_830 = arith.mulf %get3A_826, %get3A_829 : vector<16xf32>
        %get3A_831 = arith.index_cast %add3A_823 : i32 to index
        %get3A_832 = arith.constant 16 : index
        %get3A_833 = tpu.vector_load %arg9[%get3A_831, %get3A_832] {strides = array<i32>} : memref<80x128xf32, #tpu.memory_space<vmem>>, vector<16xf32>,
        %get3A_834 = arith.index_cast %add3A_823 : i32 to index
        %get3A_835 = arith.constant 16 : index
        %get3A_836 = tpu.vector_load %arg10[%get3A_834, %get3A_835] {strides = array<i32>} : memref<80x128xf32, #tpu.memory_space<vmem>>, vector<16xf32>,
        %mul3A_837 = arith.mulf %get3A_833, %get3A_836 : vector<16xf32>
        %add3A_838 = arith.addf %mul3A_830, %mul3A_837 : vector<16xf32>
        %get3A_839 = arith.index_cast %add3A_823 : i32 to index
        %get3A_840 = arith.constant 32 : index
        %get3A_841 = tpu.vector_load %arg9[%get3A_839, %get3A_840] {strides = array<i32>} : memref<80x128xf32, #tpu.memory_space<vmem>>, vector<16xf32>,
        %get3A_842 = arith.index_cast %add3A_823 : i32 to index
        %get3A_843 = arith.constant 32 : index
        %get3A_844 = tpu.vector_load %arg10[%get3A_842, %get3A_843] {strides = array<i32>} : memref<80x128xf32, #tpu.memory_space<vmem>>, vector<16xf32>,
        %mul3A_845 = arith.mulf %get3A_841, %get3A_844 : vector<16xf32>
        %add3A_846 = arith.addf %add3A_838, %mul3A_845 : vector<16xf32>
        %get3A_847 = arith.index_cast %add3A_823 : i32 to index
        %get3A_848 = arith.constant 48 : index
        %get3A_849 = tpu.vector_load %arg9[%get3A_847, %get3A_848] {strides = array<i32>} : memref<80x128xf32, #tpu.memory_space<vmem>>, vector<16xf32>,
        %get3A_850 = arith.index_cast %add3A_823 : i32 to index
        %get3A_851 = arith.constant 48 : index
        %get3A_852 = tpu.vector_load %arg10[%get3A_850, %get3A_851] {strides = array<i32>} : memref<80x128xf32, #tpu.memory_space<vmem>>, vector<16xf32>,
        %mul3A_853 = arith.mulf %get3A_849, %get3A_852 : vector<16xf32>
        %add3A_854 = arith.addf %add3A_846, %mul3A_853 : vector<16xf32>
        tpu.vector_store_idx %arg13[%iota3A, %broadcast_in_dim3A_5], %add3A_854 : memref<16x16xf32, #tpu.memory_space<vmem>>[vector<16xi32>, vector<16xi32>], vector<16xf32>,
        %mul3A_855 = arith.constant 8 : i32
        %mul3A_856 = arith.muli %scan3A_95, %mul3A_855 : i32
        %add3A_857 = arith.constant 0 : i32
        %add3A_858 = arith.addi %mul3A_856, %add3A_857 : i32
        %mul3A_859 = arith.constant 2 : i32
        %mul3A_860 = arith.muli %mul3A_859, %add3A_858 : i32
        %add3A_861 = arith.constant 1 : i32
        %add3A_862 = arith.addi %mul3A_860, %add3A_861 : i32
        %get3A_863 = arith.index_cast %add3A_862 : i32 to index
        %get3A_864 = arith.constant 64 : index
        %get3A_865 = tpu.vector_load %arg9[%get3A_863, %get3A_864] {strides = array<i32>} : memref<80x128xf32, #tpu.memory_space<vmem>>, vector<16xf32>,
        %get3A_866 = arith.index_cast %add3A_862 : i32 to index
        %get3A_867 = arith.constant 64 : index
        %get3A_868 = tpu.vector_load %arg10[%get3A_866, %get3A_867] {strides = array<i32>} : memref<80x128xf32, #tpu.memory_space<vmem>>, vector<16xf32>,
        %mul3A_869 = arith.mulf %get3A_865, %get3A_868 : vector<16xf32>
        %get3A_870 = arith.index_cast %add3A_862 : i32 to index
        %get3A_871 = arith.constant 80 : index
        %get3A_872 = tpu.vector_load %arg9[%get3A_870, %get3A_871] {strides = array<i32>} : memref<80x128xf32, #tpu.memory_space<vmem>>, vector<16xf32>,
        %get3A_873 = arith.index_cast %add3A_862 : i32 to index
        %get3A_874 = arith.constant 80 : index
        %get3A_875 = tpu.vector_load %arg10[%get3A_873, %get3A_874] {strides = array<i32>} : memref<80x128xf32, #tpu.memory_space<vmem>>, vector<16xf32>,
        %mul3A_876 = arith.mulf %get3A_872, %get3A_875 : vector<16xf32>
        %add3A_877 = arith.addf %mul3A_869, %mul3A_876 : vector<16xf32>
        %get3A_878 = arith.index_cast %add3A_862 : i32 to index
        %get3A_879 = arith.constant 96 : index
        %get3A_880 = tpu.vector_load %arg9[%get3A_878, %get3A_879] {strides = array<i32>} : memref<80x128xf32, #tpu.memory_space<vmem>>, vector<16xf32>,
        %get3A_881 = arith.index_cast %add3A_862 : i32 to index
        %get3A_882 = arith.constant 96 : index
        %get3A_883 = tpu.vector_load %arg10[%get3A_881, %get3A_882] {strides = array<i32>} : memref<80x128xf32, #tpu.memory_space<vmem>>, vector<16xf32>,
        %mul3A_884 = arith.mulf %get3A_880, %get3A_883 : vector<16xf32>
        %add3A_885 = arith.addf %add3A_877, %mul3A_884 : vector<16xf32>
        %get3A_886 = arith.index_cast %add3A_862 : i32 to index
        %get3A_887 = arith.constant 112 : index
        %get3A_888 = tpu.vector_load %arg9[%get3A_886, %get3A_887] {strides = array<i32>} : memref<80x128xf32, #tpu.memory_space<vmem>>, vector<16xf32>,
        %get3A_889 = arith.index_cast %add3A_862 : i32 to index
        %get3A_890 = arith.constant 112 : index
        %get3A_891 = tpu.vector_load %arg10[%get3A_889, %get3A_890] {strides = array<i32>} : memref<80x128xf32, #tpu.memory_space<vmem>>, vector<16xf32>,
        %mul3A_892 = arith.mulf %get3A_888, %get3A_891 : vector<16xf32>
        %add3A_893 = arith.addf %add3A_885, %mul3A_892 : vector<16xf32>
        tpu.vector_store_idx %arg13[%iota3A, %broadcast_in_dim3A_7], %add3A_893 : memref<16x16xf32, #tpu.memory_space<vmem>>[vector<16xi32>, vector<16xi32>], vector<16xf32>,
        %mul3A_894 = arith.constant 8 : i32
        %mul3A_895 = arith.muli %scan3A_95, %mul3A_894 : i32
        %add3A_896 = arith.constant 1 : i32
        %add3A_897 = arith.addi %mul3A_895, %add3A_896 : i32
        %mul3A_898 = arith.constant 2 : i32
        %mul3A_899 = arith.muli %mul3A_898, %add3A_897 : i32
        %add3A_900 = arith.constant 1 : i32
        %add3A_901 = arith.addi %mul3A_899, %add3A_900 : i32
        %get3A_902 = arith.index_cast %add3A_901 : i32 to index
        %get3A_903 = arith.constant 0 : index
        %get3A_904 = tpu.vector_load %arg9[%get3A_902, %get3A_903] {strides = array<i32>} : memref<80x128xf32, #tpu.memory_space<vmem>>, vector<16xf32>,
        %get3A_905 = arith.index_cast %add3A_901 : i32 to index
        %get3A_906 = arith.constant 0 : index
        %get3A_907 = tpu.vector_load %arg10[%get3A_905, %get3A_906] {strides = array<i32>} : memref<80x128xf32, #tpu.memory_space<vmem>>, vector<16xf32>,
        %mul3A_908 = arith.mulf %get3A_904, %get3A_907 : vector<16xf32>
        %get3A_909 = arith.index_cast %add3A_901 : i32 to index
        %get3A_910 = arith.constant 16 : index
        %get3A_911 = tpu.vector_load %arg9[%get3A_909, %get3A_910] {strides = array<i32>} : memref<80x128xf32, #tpu.memory_space<vmem>>, vector<16xf32>,
        %get3A_912 = arith.index_cast %add3A_901 : i32 to index
        %get3A_913 = arith.constant 16 : index
        %get3A_914 = tpu.vector_load %arg10[%get3A_912, %get3A_913] {strides = array<i32>} : memref<80x128xf32, #tpu.memory_space<vmem>>, vector<16xf32>,
        %mul3A_915 = arith.mulf %get3A_911, %get3A_914 : vector<16xf32>
        %add3A_916 = arith.addf %mul3A_908, %mul3A_915 : vector<16xf32>
        %get3A_917 = arith.index_cast %add3A_901 : i32 to index
        %get3A_918 = arith.constant 32 : index
        %get3A_919 = tpu.vector_load %arg9[%get3A_917, %get3A_918] {strides = array<i32>} : memref<80x128xf32, #tpu.memory_space<vmem>>, vector<16xf32>,
        %get3A_920 = arith.index_cast %add3A_901 : i32 to index
        %get3A_921 = arith.constant 32 : index
        %get3A_922 = tpu.vector_load %arg10[%get3A_920, %get3A_921] {strides = array<i32>} : memref<80x128xf32, #tpu.memory_space<vmem>>, vector<16xf32>,
        %mul3A_923 = arith.mulf %get3A_919, %get3A_922 : vector<16xf32>
        %add3A_924 = arith.addf %add3A_916, %mul3A_923 : vector<16xf32>
        %get3A_925 = arith.index_cast %add3A_901 : i32 to index
        %get3A_926 = arith.constant 48 : index
        %get3A_927 = tpu.vector_load %arg9[%get3A_925, %get3A_926] {strides = array<i32>} : memref<80x128xf32, #tpu.memory_space<vmem>>, vector<16xf32>,
        %get3A_928 = arith.index_cast %add3A_901 : i32 to index
        %get3A_929 = arith.constant 48 : index
        %get3A_930 = tpu.vector_load %arg10[%get3A_928, %get3A_929] {strides = array<i32>} : memref<80x128xf32, #tpu.memory_space<vmem>>, vector<16xf32>,
        %mul3A_931 = arith.mulf %get3A_927, %get3A_930 : vector<16xf32>
        %add3A_932 = arith.addf %add3A_924, %mul3A_931 : vector<16xf32>
        tpu.vector_store_idx %arg13[%iota3A, %broadcast_in_dim3A_9], %add3A_932 : memref<16x16xf32, #tpu.memory_space<vmem>>[vector<16xi32>, vector<16xi32>], vector<16xf32>,
        %mul3A_933 = arith.constant 8 : i32
        %mul3A_934 = arith.muli %scan3A_95, %mul3A_933 : i32
        %add3A_935 = arith.constant 1 : i32
        %add3A_936 = arith.addi %mul3A_934, %add3A_935 : i32
        %mul3A_937 = arith.constant 2 : i32
        %mul3A_938 = arith.muli %mul3A_937, %add3A_936 : i32
        %add3A_939 = arith.constant 1 : i32
        %add3A_940 = arith.addi %mul3A_938, %add3A_939 : i32
        %get3A_941 = arith.index_cast %add3A_940 : i32 to index
        %get3A_942 = arith.constant 64 : index
        %get3A_943 = tpu.vector_load %arg9[%get3A_941, %get3A_942] {strides = array<i32>} : memref<80x128xf32, #tpu.memory_space<vmem>>, vector<16xf32>,
        %get3A_944 = arith.index_cast %add3A_940 : i32 to index
        %get3A_945 = arith.constant 64 : index
        %get3A_946 = tpu.vector_load %arg10[%get3A_944, %get3A_945] {strides = array<i32>} : memref<80x128xf32, #tpu.memory_space<vmem>>, vector<16xf32>,
        %mul3A_947 = arith.mulf %get3A_943, %get3A_946 : vector<16xf32>
        %get3A_948 = arith.index_cast %add3A_940 : i32 to index
        %get3A_949 = arith.constant 80 : index
        %get3A_950 = tpu.vector_load %arg9[%get3A_948, %get3A_949] {strides = array<i32>} : memref<80x128xf32, #tpu.memory_space<vmem>>, vector<16xf32>,
        %get3A_951 = arith.index_cast %add3A_940 : i32 to index
        %get3A_952 = arith.constant 80 : index
        %get3A_953 = tpu.vector_load %arg10[%get3A_951, %get3A_952] {strides = array<i32>} : memref<80x128xf32, #tpu.memory_space<vmem>>, vector<16xf32>,
        %mul3A_954 = arith.mulf %get3A_950, %get3A_953 : vector<16xf32>
        %add3A_955 = arith.addf %mul3A_947, %mul3A_954 : vector<16xf32>
        %get3A_956 = arith.index_cast %add3A_940 : i32 to index
        %get3A_957 = arith.constant 96 : index
        %get3A_958 = tpu.vector_load %arg9[%get3A_956, %get3A_957] {strides = array<i32>} : memref<80x128xf32, #tpu.memory_space<vmem>>, vector<16xf32>,
        %get3A_959 = arith.index_cast %add3A_940 : i32 to index
        %get3A_960 = arith.constant 96 : index
        %get3A_961 = tpu.vector_load %arg10[%get3A_959, %get3A_960] {strides = array<i32>} : memref<80x128xf32, #tpu.memory_space<vmem>>, vector<16xf32>,
        %mul3A_962 = arith.mulf %get3A_958, %get3A_961 : vector<16xf32>
        %add3A_963 = arith.addf %add3A_955, %mul3A_962 : vector<16xf32>
        %get3A_964 = arith.index_cast %add3A_940 : i32 to index
        %get3A_965 = arith.constant 112 : index
        %get3A_966 = tpu.vector_load %arg9[%get3A_964, %get3A_965] {strides = array<i32>} : memref<80x128xf32, #tpu.memory_space<vmem>>, vector<16xf32>,
        %get3A_967 = arith.index_cast %add3A_940 : i32 to index
        %get3A_968 = arith.constant 112 : index
        %get3A_969 = tpu.vector_load %arg10[%get3A_967, %get3A_968] {strides = array<i32>} : memref<80x128xf32, #tpu.memory_space<vmem>>, vector<16xf32>,
        %mul3A_970 = arith.mulf %get3A_966, %get3A_969 : vector<16xf32>
        %add3A_971 = arith.addf %add3A_963, %mul3A_970 : vector<16xf32>
        tpu.vector_store_idx %arg13[%iota3A, %broadcast_in_dim3A_11], %add3A_971 : memref<16x16xf32, #tpu.memory_space<vmem>>[vector<16xi32>, vector<16xi32>], vector<16xf32>,
        %mul3A_972 = arith.constant 8 : i32
        %mul3A_973 = arith.muli %scan3A_95, %mul3A_972 : i32
        %add3A_974 = arith.constant 2 : i32
        %add3A_975 = arith.addi %mul3A_973, %add3A_974 : i32
        %mul3A_976 = arith.constant 2 : i32
        %mul3A_977 = arith.muli %mul3A_976, %add3A_975 : i32
        %add3A_978 = arith.constant 1 : i32
        %add3A_979 = arith.addi %mul3A_977, %add3A_978 : i32
        %get3A_980 = arith.index_cast %add3A_979 : i32 to index
        %get3A_981 = arith.constant 0 : index
        %get3A_982 = tpu.vector_load %arg9[%get3A_980, %get3A_981] {strides = array<i32>} : memref<80x128xf32, #tpu.memory_space<vmem>>, vector<16xf32>,
        %get3A_983 = arith.index_cast %add3A_979 : i32 to index
        %get3A_984 = arith.constant 0 : index
        %get3A_985 = tpu.vector_load %arg10[%get3A_983, %get3A_984] {strides = array<i32>} : memref<80x128xf32, #tpu.memory_space<vmem>>, vector<16xf32>,
        %mul3A_986 = arith.mulf %get3A_982, %get3A_985 : vector<16xf32>
        %get3A_987 = arith.index_cast %add3A_979 : i32 to index
        %get3A_988 = arith.constant 16 : index
        %get3A_989 = tpu.vector_load %arg9[%get3A_987, %get3A_988] {strides = array<i32>} : memref<80x128xf32, #tpu.memory_space<vmem>>, vector<16xf32>,
        %get3A_990 = arith.index_cast %add3A_979 : i32 to index
        %get3A_991 = arith.constant 16 : index
        %get3A_992 = tpu.vector_load %arg10[%get3A_990, %get3A_991] {strides = array<i32>} : memref<80x128xf32, #tpu.memory_space<vmem>>, vector<16xf32>,
        %mul3A_993 = arith.mulf %get3A_989, %get3A_992 : vector<16xf32>
        %add3A_994 = arith.addf %mul3A_986, %mul3A_993 : vector<16xf32>
        %get3A_995 = arith.index_cast %add3A_979 : i32 to index
        %get3A_996 = arith.constant 32 : index
        %get3A_997 = tpu.vector_load %arg9[%get3A_995, %get3A_996] {strides = array<i32>} : memref<80x128xf32, #tpu.memory_space<vmem>>, vector<16xf32>,
        %get3A_998 = arith.index_cast %add3A_979 : i32 to index
        %get3A_999 = arith.constant 32 : index
        %get3A_1000 = tpu.vector_load %arg10[%get3A_998, %get3A_999] {strides = array<i32>} : memref<80x128xf32, #tpu.memory_space<vmem>>, vector<16xf32>,
        %mul3A_1001 = arith.mulf %get3A_997, %get3A_1000 : vector<16xf32>
        %add3A_1002 = arith.addf %add3A_994, %mul3A_1001 : vector<16xf32>
        %get3A_1003 = arith.index_cast %add3A_979 : i32 to index
        %get3A_1004 = arith.constant 48 : index
        %get3A_1005 = tpu.vector_load %arg9[%get3A_1003, %get3A_1004] {strides = array<i32>} : memref<80x128xf32, #tpu.memory_space<vmem>>, vector<16xf32>,
        %get3A_1006 = arith.index_cast %add3A_979 : i32 to index
        %get3A_1007 = arith.constant 48 : index
        %get3A_1008 = tpu.vector_load %arg10[%get3A_1006, %get3A_1007] {strides = array<i32>} : memref<80x128xf32, #tpu.memory_space<vmem>>, vector<16xf32>,
        %mul3A_1009 = arith.mulf %get3A_1005, %get3A_1008 : vector<16xf32>
        %add3A_1010 = arith.addf %add3A_1002, %mul3A_1009 : vector<16xf32>
        tpu.vector_store_idx %arg13[%iota3A, %broadcast_in_dim3A_13], %add3A_1010 : memref<16x16xf32, #tpu.memory_space<vmem>>[vector<16xi32>, vector<16xi32>], vector<16xf32>,
        %mul3A_1011 = arith.constant 8 : i32
        %mul3A_1012 = arith.muli %scan3A_95, %mul3A_1011 : i32
        %add3A_1013 = arith.constant 2 : i32
        %add3A_1014 = arith.addi %mul3A_1012, %add3A_1013 : i32
        %mul3A_1015 = arith.constant 2 : i32
        %mul3A_1016 = arith.muli %mul3A_1015, %add3A_1014 : i32
        %add3A_1017 = arith.constant 1 : i32
        %add3A_1018 = arith.addi %mul3A_1016, %add3A_1017 : i32
        %get3A_1019 = arith.index_cast %add3A_1018 : i32 to index
        %get3A_1020 = arith.constant 64 : index
        %get3A_1021 = tpu.vector_load %arg9[%get3A_1019, %get3A_1020] {strides = array<i32>} : memref<80x128xf32, #tpu.memory_space<vmem>>, vector<16xf32>,
        %get3A_1022 = arith.index_cast %add3A_1018 : i32 to index
        %get3A_1023 = arith.constant 64 : index
        %get3A_1024 = tpu.vector_load %arg10[%get3A_1022, %get3A_1023] {strides = array<i32>} : memref<80x128xf32, #tpu.memory_space<vmem>>, vector<16xf32>,
        %mul3A_1025 = arith.mulf %get3A_1021, %get3A_1024 : vector<16xf32>
        %get3A_1026 = arith.index_cast %add3A_1018 : i32 to index
        %get3A_1027 = arith.constant 80 : index
        %get3A_1028 = tpu.vector_load %arg9[%get3A_1026, %get3A_1027] {strides = array<i32>} : memref<80x128xf32, #tpu.memory_space<vmem>>, vector<16xf32>,
        %get3A_1029 = arith.index_cast %add3A_1018 : i32 to index
        %get3A_1030 = arith.constant 80 : index
        %get3A_1031 = tpu.vector_load %arg10[%get3A_1029, %get3A_1030] {strides = array<i32>} : memref<80x128xf32, #tpu.memory_space<vmem>>, vector<16xf32>,
        %mul3A_1032 = arith.mulf %get3A_1028, %get3A_1031 : vector<16xf32>
        %add3A_1033 = arith.addf %mul3A_1025, %mul3A_1032 : vector<16xf32>
        %get3A_1034 = arith.index_cast %add3A_1018 : i32 to index
        %get3A_1035 = arith.constant 96 : index
        %get3A_1036 = tpu.vector_load %arg9[%get3A_1034, %get3A_1035] {strides = array<i32>} : memref<80x128xf32, #tpu.memory_space<vmem>>, vector<16xf32>,
        %get3A_1037 = arith.index_cast %add3A_1018 : i32 to index
        %get3A_1038 = arith.constant 96 : index
        %get3A_1039 = tpu.vector_load %arg10[%get3A_1037, %get3A_1038] {strides = array<i32>} : memref<80x128xf32, #tpu.memory_space<vmem>>, vector<16xf32>,
        %mul3A_1040 = arith.mulf %get3A_1036, %get3A_1039 : vector<16xf32>
        %add3A_1041 = arith.addf %add3A_1033, %mul3A_1040 : vector<16xf32>
        %get3A_1042 = arith.index_cast %add3A_1018 : i32 to index
        %get3A_1043 = arith.constant 112 : index
        %get3A_1044 = tpu.vector_load %arg9[%get3A_1042, %get3A_1043] {strides = array<i32>} : memref<80x128xf32, #tpu.memory_space<vmem>>, vector<16xf32>,
        %get3A_1045 = arith.index_cast %add3A_1018 : i32 to index
        %get3A_1046 = arith.constant 112 : index
        %get3A_1047 = tpu.vector_load %arg10[%get3A_1045, %get3A_1046] {strides = array<i32>} : memref<80x128xf32, #tpu.memory_space<vmem>>, vector<16xf32>,
        %mul3A_1048 = arith.mulf %get3A_1044, %get3A_1047 : vector<16xf32>
        %add3A_1049 = arith.addf %add3A_1041, %mul3A_1048 : vector<16xf32>
        tpu.vector_store_idx %arg13[%iota3A, %broadcast_in_dim3A_15], %add3A_1049 : memref<16x16xf32, #tpu.memory_space<vmem>>[vector<16xi32>, vector<16xi32>], vector<16xf32>,
        %mul3A_1050 = arith.constant 8 : i32
        %mul3A_1051 = arith.muli %scan3A_95, %mul3A_1050 : i32
        %add3A_1052 = arith.constant 3 : i32
        %add3A_1053 = arith.addi %mul3A_1051, %add3A_1052 : i32
        %mul3A_1054 = arith.constant 2 : i32
        %mul3A_1055 = arith.muli %mul3A_1054, %add3A_1053 : i32
        %add3A_1056 = arith.constant 1 : i32
        %add3A_1057 = arith.addi %mul3A_1055, %add3A_1056 : i32
        %get3A_1058 = arith.index_cast %add3A_1057 : i32 to index
        %get3A_1059 = arith.constant 0 : index
        %get3A_1060 = tpu.vector_load %arg9[%get3A_1058, %get3A_1059] {strides = array<i32>} : memref<80x128xf32, #tpu.memory_space<vmem>>, vector<16xf32>,
        %get3A_1061 = arith.index_cast %add3A_1057 : i32 to index
        %get3A_1062 = arith.constant 0 : index
        %get3A_1063 = tpu.vector_load %arg10[%get3A_1061, %get3A_1062] {strides = array<i32>} : memref<80x128xf32, #tpu.memory_space<vmem>>, vector<16xf32>,
        %mul3A_1064 = arith.mulf %get3A_1060, %get3A_1063 : vector<16xf32>
        %get3A_1065 = arith.index_cast %add3A_1057 : i32 to index
        %get3A_1066 = arith.constant 16 : index
        %get3A_1067 = tpu.vector_load %arg9[%get3A_1065, %get3A_1066] {strides = array<i32>} : memref<80x128xf32, #tpu.memory_space<vmem>>, vector<16xf32>,
        %get3A_1068 = arith.index_cast %add3A_1057 : i32 to index
        %get3A_1069 = arith.constant 16 : index
        %get3A_1070 = tpu.vector_load %arg10[%get3A_1068, %get3A_1069] {strides = array<i32>} : memref<80x128xf32, #tpu.memory_space<vmem>>, vector<16xf32>,
        %mul3A_1071 = arith.mulf %get3A_1067, %get3A_1070 : vector<16xf32>
        %add3A_1072 = arith.addf %mul3A_1064, %mul3A_1071 : vector<16xf32>
        %get3A_1073 = arith.index_cast %add3A_1057 : i32 to index
        %get3A_1074 = arith.constant 32 : index
        %get3A_1075 = tpu.vector_load %arg9[%get3A_1073, %get3A_1074] {strides = array<i32>} : memref<80x128xf32, #tpu.memory_space<vmem>>, vector<16xf32>,
        %get3A_1076 = arith.index_cast %add3A_1057 : i32 to index
        %get3A_1077 = arith.constant 32 : index
        %get3A_1078 = tpu.vector_load %arg10[%get3A_1076, %get3A_1077] {strides = array<i32>} : memref<80x128xf32, #tpu.memory_space<vmem>>, vector<16xf32>,
        %mul3A_1079 = arith.mulf %get3A_1075, %get3A_1078 : vector<16xf32>
        %add3A_1080 = arith.addf %add3A_1072, %mul3A_1079 : vector<16xf32>
        %get3A_1081 = arith.index_cast %add3A_1057 : i32 to index
        %get3A_1082 = arith.constant 48 : index
        %get3A_1083 = tpu.vector_load %arg9[%get3A_1081, %get3A_1082] {strides = array<i32>} : memref<80x128xf32, #tpu.memory_space<vmem>>, vector<16xf32>,
        %get3A_1084 = arith.index_cast %add3A_1057 : i32 to index
        %get3A_1085 = arith.constant 48 : index
        %get3A_1086 = tpu.vector_load %arg10[%get3A_1084, %get3A_1085] {strides = array<i32>} : memref<80x128xf32, #tpu.memory_space<vmem>>, vector<16xf32>,
        %mul3A_1087 = arith.mulf %get3A_1083, %get3A_1086 : vector<16xf32>
        %add3A_1088 = arith.addf %add3A_1080, %mul3A_1087 : vector<16xf32>
        tpu.vector_store_idx %arg13[%iota3A, %broadcast_in_dim3A_17], %add3A_1088 : memref<16x16xf32, #tpu.memory_space<vmem>>[vector<16xi32>, vector<16xi32>], vector<16xf32>,
        %mul3A_1089 = arith.constant 8 : i32
        %mul3A_1090 = arith.muli %scan3A_95, %mul3A_1089 : i32
        %add3A_1091 = arith.constant 3 : i32
        %add3A_1092 = arith.addi %mul3A_1090, %add3A_1091 : i32
        %mul3A_1093 = arith.constant 2 : i32
        %mul3A_1094 = arith.muli %mul3A_1093, %add3A_1092 : i32
        %add3A_1095 = arith.constant 1 : i32
        %add3A_1096 = arith.addi %mul3A_1094, %add3A_1095 : i32
        %get3A_1097 = arith.index_cast %add3A_1096 : i32 to index
        %get3A_1098 = arith.constant 64 : index
        %get3A_1099 = tpu.vector_load %arg9[%get3A_1097, %get3A_1098] {strides = array<i32>} : memref<80x128xf32, #tpu.memory_space<vmem>>, vector<16xf32>,
        %get3A_1100 = arith.index_cast %add3A_1096 : i32 to index
        %get3A_1101 = arith.constant 64 : index
        %get3A_1102 = tpu.vector_load %arg10[%get3A_1100, %get3A_1101] {strides = array<i32>} : memref<80x128xf32, #tpu.memory_space<vmem>>, vector<16xf32>,
        %mul3A_1103 = arith.mulf %get3A_1099, %get3A_1102 : vector<16xf32>
        %get3A_1104 = arith.index_cast %add3A_1096 : i32 to index
        %get3A_1105 = arith.constant 80 : index
        %get3A_1106 = tpu.vector_load %arg9[%get3A_1104, %get3A_1105] {strides = array<i32>} : memref<80x128xf32, #tpu.memory_space<vmem>>, vector<16xf32>,
        %get3A_1107 = arith.index_cast %add3A_1096 : i32 to index
        %get3A_1108 = arith.constant 80 : index
        %get3A_1109 = tpu.vector_load %arg10[%get3A_1107, %get3A_1108] {strides = array<i32>} : memref<80x128xf32, #tpu.memory_space<vmem>>, vector<16xf32>,
        %mul3A_1110 = arith.mulf %get3A_1106, %get3A_1109 : vector<16xf32>
        %add3A_1111 = arith.addf %mul3A_1103, %mul3A_1110 : vector<16xf32>
        %get3A_1112 = arith.index_cast %add3A_1096 : i32 to index
        %get3A_1113 = arith.constant 96 : index
        %get3A_1114 = tpu.vector_load %arg9[%get3A_1112, %get3A_1113] {strides = array<i32>} : memref<80x128xf32, #tpu.memory_space<vmem>>, vector<16xf32>,
        %get3A_1115 = arith.index_cast %add3A_1096 : i32 to index
        %get3A_1116 = arith.constant 96 : index
        %get3A_1117 = tpu.vector_load %arg10[%get3A_1115, %get3A_1116] {strides = array<i32>} : memref<80x128xf32, #tpu.memory_space<vmem>>, vector<16xf32>,
        %mul3A_1118 = arith.mulf %get3A_1114, %get3A_1117 : vector<16xf32>
        %add3A_1119 = arith.addf %add3A_1111, %mul3A_1118 : vector<16xf32>
        %get3A_1120 = arith.index_cast %add3A_1096 : i32 to index
        %get3A_1121 = arith.constant 112 : index
        %get3A_1122 = tpu.vector_load %arg9[%get3A_1120, %get3A_1121] {strides = array<i32>} : memref<80x128xf32, #tpu.memory_space<vmem>>, vector<16xf32>,
        %get3A_1123 = arith.index_cast %add3A_1096 : i32 to index
        %get3A_1124 = arith.constant 112 : index
        %get3A_1125 = tpu.vector_load %arg10[%get3A_1123, %get3A_1124] {strides = array<i32>} : memref<80x128xf32, #tpu.memory_space<vmem>>, vector<16xf32>,
        %mul3A_1126 = arith.mulf %get3A_1122, %get3A_1125 : vector<16xf32>
        %add3A_1127 = arith.addf %add3A_1119, %mul3A_1126 : vector<16xf32>
        tpu.vector_store_idx %arg13[%iota3A, %broadcast_in_dim3A_19], %add3A_1127 : memref<16x16xf32, #tpu.memory_space<vmem>>[vector<16xi32>, vector<16xi32>], vector<16xf32>,
        %mul3A_1128 = arith.constant 8 : i32
        %mul3A_1129 = arith.muli %scan3A_95, %mul3A_1128 : i32
        %add3A_1130 = arith.constant 4 : i32
        %add3A_1131 = arith.addi %mul3A_1129, %add3A_1130 : i32
        %mul3A_1132 = arith.constant 2 : i32
        %mul3A_1133 = arith.muli %mul3A_1132, %add3A_1131 : i32
        %add3A_1134 = arith.constant 1 : i32
        %add3A_1135 = arith.addi %mul3A_1133, %add3A_1134 : i32
        %get3A_1136 = arith.index_cast %add3A_1135 : i32 to index
        %get3A_1137 = arith.constant 0 : index
        %get3A_1138 = tpu.vector_load %arg9[%get3A_1136, %get3A_1137] {strides = array<i32>} : memref<80x128xf32, #tpu.memory_space<vmem>>, vector<16xf32>,
        %get3A_1139 = arith.index_cast %add3A_1135 : i32 to index
        %get3A_1140 = arith.constant 0 : index
        %get3A_1141 = tpu.vector_load %arg10[%get3A_1139, %get3A_1140] {strides = array<i32>} : memref<80x128xf32, #tpu.memory_space<vmem>>, vector<16xf32>,
        %mul3A_1142 = arith.mulf %get3A_1138, %get3A_1141 : vector<16xf32>
        %get3A_1143 = arith.index_cast %add3A_1135 : i32 to index
        %get3A_1144 = arith.constant 16 : index
        %get3A_1145 = tpu.vector_load %arg9[%get3A_1143, %get3A_1144] {strides = array<i32>} : memref<80x128xf32, #tpu.memory_space<vmem>>, vector<16xf32>,
        %get3A_1146 = arith.index_cast %add3A_1135 : i32 to index
        %get3A_1147 = arith.constant 16 : index
        %get3A_1148 = tpu.vector_load %arg10[%get3A_1146, %get3A_1147] {strides = array<i32>} : memref<80x128xf32, #tpu.memory_space<vmem>>, vector<16xf32>,
        %mul3A_1149 = arith.mulf %get3A_1145, %get3A_1148 : vector<16xf32>
        %add3A_1150 = arith.addf %mul3A_1142, %mul3A_1149 : vector<16xf32>
        %get3A_1151 = arith.index_cast %add3A_1135 : i32 to index
        %get3A_1152 = arith.constant 32 : index
        %get3A_1153 = tpu.vector_load %arg9[%get3A_1151, %get3A_1152] {strides = array<i32>} : memref<80x128xf32, #tpu.memory_space<vmem>>, vector<16xf32>,
        %get3A_1154 = arith.index_cast %add3A_1135 : i32 to index
        %get3A_1155 = arith.constant 32 : index
        %get3A_1156 = tpu.vector_load %arg10[%get3A_1154, %get3A_1155] {strides = array<i32>} : memref<80x128xf32, #tpu.memory_space<vmem>>, vector<16xf32>,
        %mul3A_1157 = arith.mulf %get3A_1153, %get3A_1156 : vector<16xf32>
        %add3A_1158 = arith.addf %add3A_1150, %mul3A_1157 : vector<16xf32>
        %get3A_1159 = arith.index_cast %add3A_1135 : i32 to index
        %get3A_1160 = arith.constant 48 : index
        %get3A_1161 = tpu.vector_load %arg9[%get3A_1159, %get3A_1160] {strides = array<i32>} : memref<80x128xf32, #tpu.memory_space<vmem>>, vector<16xf32>,
        %get3A_1162 = arith.index_cast %add3A_1135 : i32 to index
        %get3A_1163 = arith.constant 48 : index
        %get3A_1164 = tpu.vector_load %arg10[%get3A_1162, %get3A_1163] {strides = array<i32>} : memref<80x128xf32, #tpu.memory_space<vmem>>, vector<16xf32>,
        %mul3A_1165 = arith.mulf %get3A_1161, %get3A_1164 : vector<16xf32>
        %add3A_1166 = arith.addf %add3A_1158, %mul3A_1165 : vector<16xf32>
        tpu.vector_store_idx %arg13[%iota3A, %broadcast_in_dim3A_21], %add3A_1166 : memref<16x16xf32, #tpu.memory_space<vmem>>[vector<16xi32>, vector<16xi32>], vector<16xf32>,
        %mul3A_1167 = arith.constant 8 : i32
        %mul3A_1168 = arith.muli %scan3A_95, %mul3A_1167 : i32
        %add3A_1169 = arith.constant 4 : i32
        %add3A_1170 = arith.addi %mul3A_1168, %add3A_1169 : i32
        %mul3A_1171 = arith.constant 2 : i32
        %mul3A_1172 = arith.muli %mul3A_1171, %add3A_1170 : i32
        %add3A_1173 = arith.constant 1 : i32
        %add3A_1174 = arith.addi %mul3A_1172, %add3A_1173 : i32
        %get3A_1175 = arith.index_cast %add3A_1174 : i32 to index
        %get3A_1176 = arith.constant 64 : index
        %get3A_1177 = tpu.vector_load %arg9[%get3A_1175, %get3A_1176] {strides = array<i32>} : memref<80x128xf32, #tpu.memory_space<vmem>>, vector<16xf32>,
        %get3A_1178 = arith.index_cast %add3A_1174 : i32 to index
        %get3A_1179 = arith.constant 64 : index
        %get3A_1180 = tpu.vector_load %arg10[%get3A_1178, %get3A_1179] {strides = array<i32>} : memref<80x128xf32, #tpu.memory_space<vmem>>, vector<16xf32>,
        %mul3A_1181 = arith.mulf %get3A_1177, %get3A_1180 : vector<16xf32>
        %get3A_1182 = arith.index_cast %add3A_1174 : i32 to index
        %get3A_1183 = arith.constant 80 : index
        %get3A_1184 = tpu.vector_load %arg9[%get3A_1182, %get3A_1183] {strides = array<i32>} : memref<80x128xf32, #tpu.memory_space<vmem>>, vector<16xf32>,
        %get3A_1185 = arith.index_cast %add3A_1174 : i32 to index
        %get3A_1186 = arith.constant 80 : index
        %get3A_1187 = tpu.vector_load %arg10[%get3A_1185, %get3A_1186] {strides = array<i32>} : memref<80x128xf32, #tpu.memory_space<vmem>>, vector<16xf32>,
        %mul3A_1188 = arith.mulf %get3A_1184, %get3A_1187 : vector<16xf32>
        %add3A_1189 = arith.addf %mul3A_1181, %mul3A_1188 : vector<16xf32>
        %get3A_1190 = arith.index_cast %add3A_1174 : i32 to index
        %get3A_1191 = arith.constant 96 : index
        %get3A_1192 = tpu.vector_load %arg9[%get3A_1190, %get3A_1191] {strides = array<i32>} : memref<80x128xf32, #tpu.memory_space<vmem>>, vector<16xf32>,
        %get3A_1193 = arith.index_cast %add3A_1174 : i32 to index
        %get3A_1194 = arith.constant 96 : index
        %get3A_1195 = tpu.vector_load %arg10[%get3A_1193, %get3A_1194] {strides = array<i32>} : memref<80x128xf32, #tpu.memory_space<vmem>>, vector<16xf32>,
        %mul3A_1196 = arith.mulf %get3A_1192, %get3A_1195 : vector<16xf32>
        %add3A_1197 = arith.addf %add3A_1189, %mul3A_1196 : vector<16xf32>
        %get3A_1198 = arith.index_cast %add3A_1174 : i32 to index
        %get3A_1199 = arith.constant 112 : index
        %get3A_1200 = tpu.vector_load %arg9[%get3A_1198, %get3A_1199] {strides = array<i32>} : memref<80x128xf32, #tpu.memory_space<vmem>>, vector<16xf32>,
        %get3A_1201 = arith.index_cast %add3A_1174 : i32 to index
        %get3A_1202 = arith.constant 112 : index
        %get3A_1203 = tpu.vector_load %arg10[%get3A_1201, %get3A_1202] {strides = array<i32>} : memref<80x128xf32, #tpu.memory_space<vmem>>, vector<16xf32>,
        %mul3A_1204 = arith.mulf %get3A_1200, %get3A_1203 : vector<16xf32>
        %add3A_1205 = arith.addf %add3A_1197, %mul3A_1204 : vector<16xf32>
        tpu.vector_store_idx %arg13[%iota3A, %broadcast_in_dim3A_23], %add3A_1205 : memref<16x16xf32, #tpu.memory_space<vmem>>[vector<16xi32>, vector<16xi32>], vector<16xf32>,
        %mul3A_1206 = arith.constant 8 : i32
        %mul3A_1207 = arith.muli %scan3A_95, %mul3A_1206 : i32
        %add3A_1208 = arith.constant 5 : i32
        %add3A_1209 = arith.addi %mul3A_1207, %add3A_1208 : i32
        %mul3A_1210 = arith.constant 2 : i32
        %mul3A_1211 = arith.muli %mul3A_1210, %add3A_1209 : i32
        %add3A_1212 = arith.constant 1 : i32
        %add3A_1213 = arith.addi %mul3A_1211, %add3A_1212 : i32
        %get3A_1214 = arith.index_cast %add3A_1213 : i32 to index
        %get3A_1215 = arith.constant 0 : index
        %get3A_1216 = tpu.vector_load %arg9[%get3A_1214, %get3A_1215] {strides = array<i32>} : memref<80x128xf32, #tpu.memory_space<vmem>>, vector<16xf32>,
        %get3A_1217 = arith.index_cast %add3A_1213 : i32 to index
        %get3A_1218 = arith.constant 0 : index
        %get3A_1219 = tpu.vector_load %arg10[%get3A_1217, %get3A_1218] {strides = array<i32>} : memref<80x128xf32, #tpu.memory_space<vmem>>, vector<16xf32>,
        %mul3A_1220 = arith.mulf %get3A_1216, %get3A_1219 : vector<16xf32>
        %get3A_1221 = arith.index_cast %add3A_1213 : i32 to index
        %get3A_1222 = arith.constant 16 : index
        %get3A_1223 = tpu.vector_load %arg9[%get3A_1221, %get3A_1222] {strides = array<i32>} : memref<80x128xf32, #tpu.memory_space<vmem>>, vector<16xf32>,
        %get3A_1224 = arith.index_cast %add3A_1213 : i32 to index
        %get3A_1225 = arith.constant 16 : index
        %get3A_1226 = tpu.vector_load %arg10[%get3A_1224, %get3A_1225] {strides = array<i32>} : memref<80x128xf32, #tpu.memory_space<vmem>>, vector<16xf32>,
        %mul3A_1227 = arith.mulf %get3A_1223, %get3A_1226 : vector<16xf32>
        %add3A_1228 = arith.addf %mul3A_1220, %mul3A_1227 : vector<16xf32>
        %get3A_1229 = arith.index_cast %add3A_1213 : i32 to index
        %get3A_1230 = arith.constant 32 : index
        %get3A_1231 = tpu.vector_load %arg9[%get3A_1229, %get3A_1230] {strides = array<i32>} : memref<80x128xf32, #tpu.memory_space<vmem>>, vector<16xf32>,
        %get3A_1232 = arith.index_cast %add3A_1213 : i32 to index
        %get3A_1233 = arith.constant 32 : index
        %get3A_1234 = tpu.vector_load %arg10[%get3A_1232, %get3A_1233] {strides = array<i32>} : memref<80x128xf32, #tpu.memory_space<vmem>>, vector<16xf32>,
        %mul3A_1235 = arith.mulf %get3A_1231, %get3A_1234 : vector<16xf32>
        %add3A_1236 = arith.addf %add3A_1228, %mul3A_1235 : vector<16xf32>
        %get3A_1237 = arith.index_cast %add3A_1213 : i32 to index
        %get3A_1238 = arith.constant 48 : index
        %get3A_1239 = tpu.vector_load %arg9[%get3A_1237, %get3A_1238] {strides = array<i32>} : memref<80x128xf32, #tpu.memory_space<vmem>>, vector<16xf32>,
        %get3A_1240 = arith.index_cast %add3A_1213 : i32 to index
        %get3A_1241 = arith.constant 48 : index
        %get3A_1242 = tpu.vector_load %arg10[%get3A_1240, %get3A_1241] {strides = array<i32>} : memref<80x128xf32, #tpu.memory_space<vmem>>, vector<16xf32>,
        %mul3A_1243 = arith.mulf %get3A_1239, %get3A_1242 : vector<16xf32>
        %add3A_1244 = arith.addf %add3A_1236, %mul3A_1243 : vector<16xf32>
        tpu.vector_store_idx %arg13[%iota3A, %broadcast_in_dim3A_25], %add3A_1244 : memref<16x16xf32, #tpu.memory_space<vmem>>[vector<16xi32>, vector<16xi32>], vector<16xf32>,
        %mul3A_1245 = arith.constant 8 : i32
        %mul3A_1246 = arith.muli %scan3A_95, %mul3A_1245 : i32
        %add3A_1247 = arith.constant 5 : i32
        %add3A_1248 = arith.addi %mul3A_1246, %add3A_1247 : i32
        %mul3A_1249 = arith.constant 2 : i32
        %mul3A_1250 = arith.muli %mul3A_1249, %add3A_1248 : i32
        %add3A_1251 = arith.constant 1 : i32
        %add3A_1252 = arith.addi %mul3A_1250, %add3A_1251 : i32
        %get3A_1253 = arith.index_cast %add3A_1252 : i32 to index
        %get3A_1254 = arith.constant 64 : index
        %get3A_1255 = tpu.vector_load %arg9[%get3A_1253, %get3A_1254] {strides = array<i32>} : memref<80x128xf32, #tpu.memory_space<vmem>>, vector<16xf32>,
        %get3A_1256 = arith.index_cast %add3A_1252 : i32 to index
        %get3A_1257 = arith.constant 64 : index
        %get3A_1258 = tpu.vector_load %arg10[%get3A_1256, %get3A_1257] {strides = array<i32>} : memref<80x128xf32, #tpu.memory_space<vmem>>, vector<16xf32>,
        %mul3A_1259 = arith.mulf %get3A_1255, %get3A_1258 : vector<16xf32>
        %get3A_1260 = arith.index_cast %add3A_1252 : i32 to index
        %get3A_1261 = arith.constant 80 : index
        %get3A_1262 = tpu.vector_load %arg9[%get3A_1260, %get3A_1261] {strides = array<i32>} : memref<80x128xf32, #tpu.memory_space<vmem>>, vector<16xf32>,
        %get3A_1263 = arith.index_cast %add3A_1252 : i32 to index
        %get3A_1264 = arith.constant 80 : index
        %get3A_1265 = tpu.vector_load %arg10[%get3A_1263, %get3A_1264] {strides = array<i32>} : memref<80x128xf32, #tpu.memory_space<vmem>>, vector<16xf32>,
        %mul3A_1266 = arith.mulf %get3A_1262, %get3A_1265 : vector<16xf32>
        %add3A_1267 = arith.addf %mul3A_1259, %mul3A_1266 : vector<16xf32>
        %get3A_1268 = arith.index_cast %add3A_1252 : i32 to index
        %get3A_1269 = arith.constant 96 : index
        %get3A_1270 = tpu.vector_load %arg9[%get3A_1268, %get3A_1269] {strides = array<i32>} : memref<80x128xf32, #tpu.memory_space<vmem>>, vector<16xf32>,
        %get3A_1271 = arith.index_cast %add3A_1252 : i32 to index
        %get3A_1272 = arith.constant 96 : index
        %get3A_1273 = tpu.vector_load %arg10[%get3A_1271, %get3A_1272] {strides = array<i32>} : memref<80x128xf32, #tpu.memory_space<vmem>>, vector<16xf32>,
        %mul3A_1274 = arith.mulf %get3A_1270, %get3A_1273 : vector<16xf32>
        %add3A_1275 = arith.addf %add3A_1267, %mul3A_1274 : vector<16xf32>
        %get3A_1276 = arith.index_cast %add3A_1252 : i32 to index
        %get3A_1277 = arith.constant 112 : index
        %get3A_1278 = tpu.vector_load %arg9[%get3A_1276, %get3A_1277] {strides = array<i32>} : memref<80x128xf32, #tpu.memory_space<vmem>>, vector<16xf32>,
        %get3A_1279 = arith.index_cast %add3A_1252 : i32 to index
        %get3A_1280 = arith.constant 112 : index
        %get3A_1281 = tpu.vector_load %arg10[%get3A_1279, %get3A_1280] {strides = array<i32>} : memref<80x128xf32, #tpu.memory_space<vmem>>, vector<16xf32>,
        %mul3A_1282 = arith.mulf %get3A_1278, %get3A_1281 : vector<16xf32>
        %add3A_1283 = arith.addf %add3A_1275, %mul3A_1282 : vector<16xf32>
        tpu.vector_store_idx %arg13[%iota3A, %broadcast_in_dim3A_27], %add3A_1283 : memref<16x16xf32, #tpu.memory_space<vmem>>[vector<16xi32>, vector<16xi32>], vector<16xf32>,
        %mul3A_1284 = arith.constant 8 : i32
        %mul3A_1285 = arith.muli %scan3A_95, %mul3A_1284 : i32
        %add3A_1286 = arith.constant 6 : i32
        %add3A_1287 = arith.addi %mul3A_1285, %add3A_1286 : i32
        %mul3A_1288 = arith.constant 2 : i32
        %mul3A_1289 = arith.muli %mul3A_1288, %add3A_1287 : i32
        %add3A_1290 = arith.constant 1 : i32
        %add3A_1291 = arith.addi %mul3A_1289, %add3A_1290 : i32
        %get3A_1292 = arith.index_cast %add3A_1291 : i32 to index
        %get3A_1293 = arith.constant 0 : index
        %get3A_1294 = tpu.vector_load %arg9[%get3A_1292, %get3A_1293] {strides = array<i32>} : memref<80x128xf32, #tpu.memory_space<vmem>>, vector<16xf32>,
        %get3A_1295 = arith.index_cast %add3A_1291 : i32 to index
        %get3A_1296 = arith.constant 0 : index
        %get3A_1297 = tpu.vector_load %arg10[%get3A_1295, %get3A_1296] {strides = array<i32>} : memref<80x128xf32, #tpu.memory_space<vmem>>, vector<16xf32>,
        %mul3A_1298 = arith.mulf %get3A_1294, %get3A_1297 : vector<16xf32>
        %get3A_1299 = arith.index_cast %add3A_1291 : i32 to index
        %get3A_1300 = arith.constant 16 : index
        %get3A_1301 = tpu.vector_load %arg9[%get3A_1299, %get3A_1300] {strides = array<i32>} : memref<80x128xf32, #tpu.memory_space<vmem>>, vector<16xf32>,
        %get3A_1302 = arith.index_cast %add3A_1291 : i32 to index
        %get3A_1303 = arith.constant 16 : index
        %get3A_1304 = tpu.vector_load %arg10[%get3A_1302, %get3A_1303] {strides = array<i32>} : memref<80x128xf32, #tpu.memory_space<vmem>>, vector<16xf32>,
        %mul3A_1305 = arith.mulf %get3A_1301, %get3A_1304 : vector<16xf32>
        %add3A_1306 = arith.addf %mul3A_1298, %mul3A_1305 : vector<16xf32>
        %get3A_1307 = arith.index_cast %add3A_1291 : i32 to index
        %get3A_1308 = arith.constant 32 : index
        %get3A_1309 = tpu.vector_load %arg9[%get3A_1307, %get3A_1308] {strides = array<i32>} : memref<80x128xf32, #tpu.memory_space<vmem>>, vector<16xf32>,
        %get3A_1310 = arith.index_cast %add3A_1291 : i32 to index
        %get3A_1311 = arith.constant 32 : index
        %get3A_1312 = tpu.vector_load %arg10[%get3A_1310, %get3A_1311] {strides = array<i32>} : memref<80x128xf32, #tpu.memory_space<vmem>>, vector<16xf32>,
        %mul3A_1313 = arith.mulf %get3A_1309, %get3A_1312 : vector<16xf32>
        %add3A_1314 = arith.addf %add3A_1306, %mul3A_1313 : vector<16xf32>
        %get3A_1315 = arith.index_cast %add3A_1291 : i32 to index
        %get3A_1316 = arith.constant 48 : index
        %get3A_1317 = tpu.vector_load %arg9[%get3A_1315, %get3A_1316] {strides = array<i32>} : memref<80x128xf32, #tpu.memory_space<vmem>>, vector<16xf32>,
        %get3A_1318 = arith.index_cast %add3A_1291 : i32 to index
        %get3A_1319 = arith.constant 48 : index
        %get3A_1320 = tpu.vector_load %arg10[%get3A_1318, %get3A_1319] {strides = array<i32>} : memref<80x128xf32, #tpu.memory_space<vmem>>, vector<16xf32>,
        %mul3A_1321 = arith.mulf %get3A_1317, %get3A_1320 : vector<16xf32>
        %add3A_1322 = arith.addf %add3A_1314, %mul3A_1321 : vector<16xf32>
        tpu.vector_store_idx %arg13[%iota3A, %broadcast_in_dim3A_29], %add3A_1322 : memref<16x16xf32, #tpu.memory_space<vmem>>[vector<16xi32>, vector<16xi32>], vector<16xf32>,
        %mul3A_1323 = arith.constant 8 : i32
        %mul3A_1324 = arith.muli %scan3A_95, %mul3A_1323 : i32
        %add3A_1325 = arith.constant 6 : i32
        %add3A_1326 = arith.addi %mul3A_1324, %add3A_1325 : i32
        %mul3A_1327 = arith.constant 2 : i32
        %mul3A_1328 = arith.muli %mul3A_1327, %add3A_1326 : i32
        %add3A_1329 = arith.constant 1 : i32
        %add3A_1330 = arith.addi %mul3A_1328, %add3A_1329 : i32
        %get3A_1331 = arith.index_cast %add3A_1330 : i32 to index
        %get3A_1332 = arith.constant 64 : index
        %get3A_1333 = tpu.vector_load %arg9[%get3A_1331, %get3A_1332] {strides = array<i32>} : memref<80x128xf32, #tpu.memory_space<vmem>>, vector<16xf32>,
        %get3A_1334 = arith.index_cast %add3A_1330 : i32 to index
        %get3A_1335 = arith.constant 64 : index
        %get3A_1336 = tpu.vector_load %arg10[%get3A_1334, %get3A_1335] {strides = array<i32>} : memref<80x128xf32, #tpu.memory_space<vmem>>, vector<16xf32>,
        %mul3A_1337 = arith.mulf %get3A_1333, %get3A_1336 : vector<16xf32>
        %get3A_1338 = arith.index_cast %add3A_1330 : i32 to index
        %get3A_1339 = arith.constant 80 : index
        %get3A_1340 = tpu.vector_load %arg9[%get3A_1338, %get3A_1339] {strides = array<i32>} : memref<80x128xf32, #tpu.memory_space<vmem>>, vector<16xf32>,
        %get3A_1341 = arith.index_cast %add3A_1330 : i32 to index
        %get3A_1342 = arith.constant 80 : index
        %get3A_1343 = tpu.vector_load %arg10[%get3A_1341, %get3A_1342] {strides = array<i32>} : memref<80x128xf32, #tpu.memory_space<vmem>>, vector<16xf32>,
        %mul3A_1344 = arith.mulf %get3A_1340, %get3A_1343 : vector<16xf32>
        %add3A_1345 = arith.addf %mul3A_1337, %mul3A_1344 : vector<16xf32>
        %get3A_1346 = arith.index_cast %add3A_1330 : i32 to index
        %get3A_1347 = arith.constant 96 : index
        %get3A_1348 = tpu.vector_load %arg9[%get3A_1346, %get3A_1347] {strides = array<i32>} : memref<80x128xf32, #tpu.memory_space<vmem>>, vector<16xf32>,
        %get3A_1349 = arith.index_cast %add3A_1330 : i32 to index
        %get3A_1350 = arith.constant 96 : index
        %get3A_1351 = tpu.vector_load %arg10[%get3A_1349, %get3A_1350] {strides = array<i32>} : memref<80x128xf32, #tpu.memory_space<vmem>>, vector<16xf32>,
        %mul3A_1352 = arith.mulf %get3A_1348, %get3A_1351 : vector<16xf32>
        %add3A_1353 = arith.addf %add3A_1345, %mul3A_1352 : vector<16xf32>
        %get3A_1354 = arith.index_cast %add3A_1330 : i32 to index
        %get3A_1355 = arith.constant 112 : index
        %get3A_1356 = tpu.vector_load %arg9[%get3A_1354, %get3A_1355] {strides = array<i32>} : memref<80x128xf32, #tpu.memory_space<vmem>>, vector<16xf32>,
        %get3A_1357 = arith.index_cast %add3A_1330 : i32 to index
        %get3A_1358 = arith.constant 112 : index
        %get3A_1359 = tpu.vector_load %arg10[%get3A_1357, %get3A_1358] {strides = array<i32>} : memref<80x128xf32, #tpu.memory_space<vmem>>, vector<16xf32>,
        %mul3A_1360 = arith.mulf %get3A_1356, %get3A_1359 : vector<16xf32>
        %add3A_1361 = arith.addf %add3A_1353, %mul3A_1360 : vector<16xf32>
        tpu.vector_store_idx %arg13[%iota3A, %broadcast_in_dim3A_31], %add3A_1361 : memref<16x16xf32, #tpu.memory_space<vmem>>[vector<16xi32>, vector<16xi32>], vector<16xf32>,
        %mul3A_1362 = arith.constant 8 : i32
        %mul3A_1363 = arith.muli %scan3A_95, %mul3A_1362 : i32
        %add3A_1364 = arith.constant 7 : i32
        %add3A_1365 = arith.addi %mul3A_1363, %add3A_1364 : i32
        %mul3A_1366 = arith.constant 2 : i32
        %mul3A_1367 = arith.muli %mul3A_1366, %add3A_1365 : i32
        %add3A_1368 = arith.constant 1 : i32
        %add3A_1369 = arith.addi %mul3A_1367, %add3A_1368 : i32
        %get3A_1370 = arith.index_cast %add3A_1369 : i32 to index
        %get3A_1371 = arith.constant 0 : index
        %get3A_1372 = tpu.vector_load %arg9[%get3A_1370, %get3A_1371] {strides = array<i32>} : memref<80x128xf32, #tpu.memory_space<vmem>>, vector<16xf32>,
        %get3A_1373 = arith.index_cast %add3A_1369 : i32 to index
        %get3A_1374 = arith.constant 0 : index
        %get3A_1375 = tpu.vector_load %arg10[%get3A_1373, %get3A_1374] {strides = array<i32>} : memref<80x128xf32, #tpu.memory_space<vmem>>, vector<16xf32>,
        %mul3A_1376 = arith.mulf %get3A_1372, %get3A_1375 : vector<16xf32>
        %get3A_1377 = arith.index_cast %add3A_1369 : i32 to index
        %get3A_1378 = arith.constant 16 : index
        %get3A_1379 = tpu.vector_load %arg9[%get3A_1377, %get3A_1378] {strides = array<i32>} : memref<80x128xf32, #tpu.memory_space<vmem>>, vector<16xf32>,
        %get3A_1380 = arith.index_cast %add3A_1369 : i32 to index
        %get3A_1381 = arith.constant 16 : index
        %get3A_1382 = tpu.vector_load %arg10[%get3A_1380, %get3A_1381] {strides = array<i32>} : memref<80x128xf32, #tpu.memory_space<vmem>>, vector<16xf32>,
        %mul3A_1383 = arith.mulf %get3A_1379, %get3A_1382 : vector<16xf32>
        %add3A_1384 = arith.addf %mul3A_1376, %mul3A_1383 : vector<16xf32>
        %get3A_1385 = arith.index_cast %add3A_1369 : i32 to index
        %get3A_1386 = arith.constant 32 : index
        %get3A_1387 = tpu.vector_load %arg9[%get3A_1385, %get3A_1386] {strides = array<i32>} : memref<80x128xf32, #tpu.memory_space<vmem>>, vector<16xf32>,
        %get3A_1388 = arith.index_cast %add3A_1369 : i32 to index
        %get3A_1389 = arith.constant 32 : index
        %get3A_1390 = tpu.vector_load %arg10[%get3A_1388, %get3A_1389] {strides = array<i32>} : memref<80x128xf32, #tpu.memory_space<vmem>>, vector<16xf32>,
        %mul3A_1391 = arith.mulf %get3A_1387, %get3A_1390 : vector<16xf32>
        %add3A_1392 = arith.addf %add3A_1384, %mul3A_1391 : vector<16xf32>
        %get3A_1393 = arith.index_cast %add3A_1369 : i32 to index
        %get3A_1394 = arith.constant 48 : index
        %get3A_1395 = tpu.vector_load %arg9[%get3A_1393, %get3A_1394] {strides = array<i32>} : memref<80x128xf32, #tpu.memory_space<vmem>>, vector<16xf32>,
        %get3A_1396 = arith.index_cast %add3A_1369 : i32 to index
        %get3A_1397 = arith.constant 48 : index
        %get3A_1398 = tpu.vector_load %arg10[%get3A_1396, %get3A_1397] {strides = array<i32>} : memref<80x128xf32, #tpu.memory_space<vmem>>, vector<16xf32>,
        %mul3A_1399 = arith.mulf %get3A_1395, %get3A_1398 : vector<16xf32>
        %add3A_1400 = arith.addf %add3A_1392, %mul3A_1399 : vector<16xf32>
        tpu.vector_store_idx %arg13[%iota3A, %broadcast_in_dim3A_33], %add3A_1400 : memref<16x16xf32, #tpu.memory_space<vmem>>[vector<16xi32>, vector<16xi32>], vector<16xf32>,
        %mul3A_1401 = arith.constant 8 : i32
        %mul3A_1402 = arith.muli %scan3A_95, %mul3A_1401 : i32
        %add3A_1403 = arith.constant 7 : i32
        %add3A_1404 = arith.addi %mul3A_1402, %add3A_1403 : i32
        %mul3A_1405 = arith.constant 2 : i32
        %mul3A_1406 = arith.muli %mul3A_1405, %add3A_1404 : i32
        %add3A_1407 = arith.constant 1 : i32
        %add3A_1408 = arith.addi %mul3A_1406, %add3A_1407 : i32
        %get3A_1409 = arith.index_cast %add3A_1408 : i32 to index
        %get3A_1410 = arith.constant 64 : index
        %get3A_1411 = tpu.vector_load %arg9[%get3A_1409, %get3A_1410] {strides = array<i32>} : memref<80x128xf32, #tpu.memory_space<vmem>>, vector<16xf32>,
        %get3A_1412 = arith.index_cast %add3A_1408 : i32 to index
        %get3A_1413 = arith.constant 64 : index
        %get3A_1414 = tpu.vector_load %arg10[%get3A_1412, %get3A_1413] {strides = array<i32>} : memref<80x128xf32, #tpu.memory_space<vmem>>, vector<16xf32>,
        %mul3A_1415 = arith.mulf %get3A_1411, %get3A_1414 : vector<16xf32>
        %get3A_1416 = arith.index_cast %add3A_1408 : i32 to index
        %get3A_1417 = arith.constant 80 : index
        %get3A_1418 = tpu.vector_load %arg9[%get3A_1416, %get3A_1417] {strides = array<i32>} : memref<80x128xf32, #tpu.memory_space<vmem>>, vector<16xf32>,
        %get3A_1419 = arith.index_cast %add3A_1408 : i32 to index
        %get3A_1420 = arith.constant 80 : index
        %get3A_1421 = tpu.vector_load %arg10[%get3A_1419, %get3A_1420] {strides = array<i32>} : memref<80x128xf32, #tpu.memory_space<vmem>>, vector<16xf32>,
        %mul3A_1422 = arith.mulf %get3A_1418, %get3A_1421 : vector<16xf32>
        %add3A_1423 = arith.addf %mul3A_1415, %mul3A_1422 : vector<16xf32>
        %get3A_1424 = arith.index_cast %add3A_1408 : i32 to index
        %get3A_1425 = arith.constant 96 : index
        %get3A_1426 = tpu.vector_load %arg9[%get3A_1424, %get3A_1425] {strides = array<i32>} : memref<80x128xf32, #tpu.memory_space<vmem>>, vector<16xf32>,
        %get3A_1427 = arith.index_cast %add3A_1408 : i32 to index
        %get3A_1428 = arith.constant 96 : index
        %get3A_1429 = tpu.vector_load %arg10[%get3A_1427, %get3A_1428] {strides = array<i32>} : memref<80x128xf32, #tpu.memory_space<vmem>>, vector<16xf32>,
        %mul3A_1430 = arith.mulf %get3A_1426, %get3A_1429 : vector<16xf32>
        %add3A_1431 = arith.addf %add3A_1423, %mul3A_1430 : vector<16xf32>
        %get3A_1432 = arith.index_cast %add3A_1408 : i32 to index
        %get3A_1433 = arith.constant 112 : index
        %get3A_1434 = tpu.vector_load %arg9[%get3A_1432, %get3A_1433] {strides = array<i32>} : memref<80x128xf32, #tpu.memory_space<vmem>>, vector<16xf32>,
        %get3A_1435 = arith.index_cast %add3A_1408 : i32 to index
        %get3A_1436 = arith.constant 112 : index
        %get3A_1437 = tpu.vector_load %arg10[%get3A_1435, %get3A_1436] {strides = array<i32>} : memref<80x128xf32, #tpu.memory_space<vmem>>, vector<16xf32>,
        %mul3A_1438 = arith.mulf %get3A_1434, %get3A_1437 : vector<16xf32>
        %add3A_1439 = arith.addf %add3A_1431, %mul3A_1438 : vector<16xf32>
        tpu.vector_store_idx %arg13[%iota3A, %broadcast_in_dim3A_35], %add3A_1439 : memref<16x16xf32, #tpu.memory_space<vmem>>[vector<16xi32>, vector<16xi32>], vector<16xf32>,
        %get3A_1440 = arith.constant 0 : i32
        %get3A_1441 = arith.index_cast %get3A_1440 : i32 to index
        %get3A_1442 = arith.constant 0 : index
        %get3A_1443 = tpu.vector_load %arg13[%get3A_1441, %get3A_1442] {strides = array<i32>} : memref<16x16xf32, #tpu.memory_space<vmem>>, vector<16xf32>,
        %get3A_1444 = arith.constant 1 : i32
        %get3A_1445 = arith.index_cast %get3A_1444 : i32 to index
        %get3A_1446 = arith.constant 0 : index
        %get3A_1447 = tpu.vector_load %arg13[%get3A_1445, %get3A_1446] {strides = array<i32>} : memref<16x16xf32, #tpu.memory_space<vmem>>, vector<16xf32>,
        %add3A_1448 = arith.addf %get3A_1443, %get3A_1447 : vector<16xf32>
        %get3A_1449 = arith.constant 2 : i32
        %get3A_1450 = arith.index_cast %get3A_1449 : i32 to index
        %get3A_1451 = arith.constant 0 : index
        %get3A_1452 = tpu.vector_load %arg13[%get3A_1450, %get3A_1451] {strides = array<i32>} : memref<16x16xf32, #tpu.memory_space<vmem>>, vector<16xf32>,
        %add3A_1453 = arith.addf %add3A_1448, %get3A_1452 : vector<16xf32>
        %get3A_1454 = arith.constant 3 : i32
        %get3A_1455 = arith.index_cast %get3A_1454 : i32 to index
        %get3A_1456 = arith.constant 0 : index
        %get3A_1457 = tpu.vector_load %arg13[%get3A_1455, %get3A_1456] {strides = array<i32>} : memref<16x16xf32, #tpu.memory_space<vmem>>, vector<16xf32>,
        %add3A_1458 = arith.addf %add3A_1453, %get3A_1457 : vector<16xf32>
        %get3A_1459 = arith.constant 4 : i32
        %get3A_1460 = arith.index_cast %get3A_1459 : i32 to index
        %get3A_1461 = arith.constant 0 : index
        %get3A_1462 = tpu.vector_load %arg13[%get3A_1460, %get3A_1461] {strides = array<i32>} : memref<16x16xf32, #tpu.memory_space<vmem>>, vector<16xf32>,
        %add3A_1463 = arith.addf %add3A_1458, %get3A_1462 : vector<16xf32>
        %get3A_1464 = arith.constant 5 : i32
        %get3A_1465 = arith.index_cast %get3A_1464 : i32 to index
        %get3A_1466 = arith.constant 0 : index
        %get3A_1467 = tpu.vector_load %arg13[%get3A_1465, %get3A_1466] {strides = array<i32>} : memref<16x16xf32, #tpu.memory_space<vmem>>, vector<16xf32>,
        %add3A_1468 = arith.addf %add3A_1463, %get3A_1467 : vector<16xf32>
        %get3A_1469 = arith.constant 6 : i32
        %get3A_1470 = arith.index_cast %get3A_1469 : i32 to index
        %get3A_1471 = arith.constant 0 : index
        %get3A_1472 = tpu.vector_load %arg13[%get3A_1470, %get3A_1471] {strides = array<i32>} : memref<16x16xf32, #tpu.memory_space<vmem>>, vector<16xf32>,
        %add3A_1473 = arith.addf %add3A_1468, %get3A_1472 : vector<16xf32>
        %get3A_1474 = arith.constant 7 : i32
        %get3A_1475 = arith.index_cast %get3A_1474 : i32 to index
        %get3A_1476 = arith.constant 0 : index
        %get3A_1477 = tpu.vector_load %arg13[%get3A_1475, %get3A_1476] {strides = array<i32>} : memref<16x16xf32, #tpu.memory_space<vmem>>, vector<16xf32>,
        %add3A_1478 = arith.addf %add3A_1473, %get3A_1477 : vector<16xf32>
        %get3A_1479 = arith.constant 8 : i32
        %get3A_1480 = arith.index_cast %get3A_1479 : i32 to index
        %get3A_1481 = arith.constant 0 : index
        %get3A_1482 = tpu.vector_load %arg13[%get3A_1480, %get3A_1481] {strides = array<i32>} : memref<16x16xf32, #tpu.memory_space<vmem>>, vector<16xf32>,
        %add3A_1483 = arith.addf %add3A_1478, %get3A_1482 : vector<16xf32>
        %get3A_1484 = arith.constant 9 : i32
        %get3A_1485 = arith.index_cast %get3A_1484 : i32 to index
        %get3A_1486 = arith.constant 0 : index
        %get3A_1487 = tpu.vector_load %arg13[%get3A_1485, %get3A_1486] {strides = array<i32>} : memref<16x16xf32, #tpu.memory_space<vmem>>, vector<16xf32>,
        %add3A_1488 = arith.addf %add3A_1483, %get3A_1487 : vector<16xf32>
        %get3A_1489 = arith.constant 10 : i32
        %get3A_1490 = arith.index_cast %get3A_1489 : i32 to index
        %get3A_1491 = arith.constant 0 : index
        %get3A_1492 = tpu.vector_load %arg13[%get3A_1490, %get3A_1491] {strides = array<i32>} : memref<16x16xf32, #tpu.memory_space<vmem>>, vector<16xf32>,
        %add3A_1493 = arith.addf %add3A_1488, %get3A_1492 : vector<16xf32>
        %get3A_1494 = arith.constant 11 : i32
        %get3A_1495 = arith.index_cast %get3A_1494 : i32 to index
        %get3A_1496 = arith.constant 0 : index
        %get3A_1497 = tpu.vector_load %arg13[%get3A_1495, %get3A_1496] {strides = array<i32>} : memref<16x16xf32, #tpu.memory_space<vmem>>, vector<16xf32>,
        %add3A_1498 = arith.addf %add3A_1493, %get3A_1497 : vector<16xf32>
        %get3A_1499 = arith.constant 12 : i32
        %get3A_1500 = arith.index_cast %get3A_1499 : i32 to index
        %get3A_1501 = arith.constant 0 : index
        %get3A_1502 = tpu.vector_load %arg13[%get3A_1500, %get3A_1501] {strides = array<i32>} : memref<16x16xf32, #tpu.memory_space<vmem>>, vector<16xf32>,
        %add3A_1503 = arith.addf %add3A_1498, %get3A_1502 : vector<16xf32>
        %get3A_1504 = arith.constant 13 : i32
        %get3A_1505 = arith.index_cast %get3A_1504 : i32 to index
        %get3A_1506 = arith.constant 0 : index
        %get3A_1507 = tpu.vector_load %arg13[%get3A_1505, %get3A_1506] {strides = array<i32>} : memref<16x16xf32, #tpu.memory_space<vmem>>, vector<16xf32>,
        %add3A_1508 = arith.addf %add3A_1503, %get3A_1507 : vector<16xf32>
        %get3A_1509 = arith.constant 14 : i32
        %get3A_1510 = arith.index_cast %get3A_1509 : i32 to index
        %get3A_1511 = arith.constant 0 : index
        %get3A_1512 = tpu.vector_load %arg13[%get3A_1510, %get3A_1511] {strides = array<i32>} : memref<16x16xf32, #tpu.memory_space<vmem>>, vector<16xf32>,
        %add3A_1513 = arith.addf %add3A_1508, %get3A_1512 : vector<16xf32>
        %get3A_1514 = arith.constant 15 : i32
        %get3A_1515 = arith.index_cast %get3A_1514 : i32 to index
        %get3A_1516 = arith.constant 0 : index
        %get3A_1517 = tpu.vector_load %arg13[%get3A_1515, %get3A_1516] {strides = array<i32>} : memref<16x16xf32, #tpu.memory_space<vmem>>, vector<16xf32>,
        %add3A_1518 = arith.addf %add3A_1513, %get3A_1517 : vector<16xf32>
        %mul3A_1519 = arith.constant 1.250000e-01 : f32
        %mul3A_1520 = vector.broadcast %mul3A_1519 : f32 to vector<16xf32>
        %mul3A_1521 = arith.mulf %add3A_1518, %mul3A_1520 : vector<16xf32>
        %exp3A_1522 = math.exp %mul3A_1521 : vector<16xf32>
        %mul3A_1523 = arith.constant 8 : i32
        %mul3A_1524 = arith.muli %scan3A_95, %mul3A_1523 : i32
        %add3A_1525 = vector.broadcast %mul3A_1524 : i32 to vector<16xi32>
        %add3A_1526 = arith.addi %add3A_1525, %shift_right_arithmetic3A_2 : vector<16xi32>
        %add3A_1527 = arith.constant 2 : i32
        %add3A_1528 = vector.broadcast %add3A_1527 : i32 to vector<16xi32>
        %add3A_1529 = arith.addi %add3A_1528, %and3A_4 : vector<16xi32>
        tpu.vector_store_idx %arg11[%add3A_1526, %add3A_1529], %exp3A_1522 : memref<40x16xf32, #tpu.memory_space<vmem>>[vector<16xi32>, vector<16xi32>], vector<16xf32>,
        %mul3A_1530 = arith.constant 8 : i32
        %mul3A_1531 = arith.muli %scan3A_95, %mul3A_1530 : i32
        %add3A_1532 = vector.broadcast %mul3A_1531 : i32 to vector<16xi32>
        %add3A_1533 = arith.addi %add3A_1532, %shift_right_arithmetic3A_2 : vector<16xi32>
        %add3A_1534 = arith.constant 2 : i32
        %add3A_1535 = vector.broadcast %add3A_1534 : i32 to vector<16xi32>
        %add3A_1536 = arith.addi %add3A_1535, %and3A_4 : vector<16xi32>
        tpu.vector_store_idx %arg12[%add3A_1533, %add3A_1536], %exp3A_1522 : memref<40x128xf32, #tpu.memory_space<vmem>>[vector<16xi32>, vector<16xi32>], vector<16xf32>,
        %scan3A_1537 = arith.constant 0 : i32
        scf.yield %scan3A_1537 : i32
      }
      %scan3A_93 = arith.constant 5 : i32
      "tpu.region"() ({
        %run_scoped3A = tpu.sem_alloc : memref<!tpu.dma_semaphore, #tpu.memory_space<semaphore_mem>>
        %dma_start3A_95 = arith.constant 0 : i32
        %dma_start3A_96 = tpu.memref_slice %arg7[%add3A_72, %dma_start3A_95] : memref<160000x16xf32, #tpu.memory_space<hbm>> -> memref<40x16xf32, #tpu.memory_space<hbm>>
        %dma_start3A_97 = arith.constant 0 : i32
        %dma_start3A_98 = tpu.memref_slice %arg7[%add3A_72, %dma_start3A_97] : memref<160000x16xf32, #tpu.memory_space<hbm>> -> memref<40x16xf32, #tpu.memory_space<hbm>>
        tpu.enqueue_dma source(%arg11 : memref<40x16xf32, #tpu.memory_space<vmem>>) target(%dma_start3A_98 : memref<40x16xf32, #tpu.memory_space<hbm>>) target_semaphore(%run_scoped3A : memref<!tpu.dma_semaphore, #tpu.memory_space<semaphore_mem>>)
        %dma_wait3A_99 = arith.constant 0 : i32
        %dma_wait3A_100 = tpu.memref_slice %arg7[%add3A_72, %dma_wait3A_99] : memref<160000x16xf32, #tpu.memory_space<hbm>> -> memref<40x16xf32, #tpu.memory_space<hbm>>
        %dma_wait3A_101 = arith.constant 0 : i32
        %dma_wait3A_102 = tpu.memref_slice %arg7[%add3A_72, %dma_wait3A_101] : memref<160000x16xf32, #tpu.memory_space<hbm>> -> memref<40x16xf32, #tpu.memory_space<hbm>>
        tpu.wait_dma2 semaphore(%run_scoped3A : memref<!tpu.dma_semaphore, #tpu.memory_space<semaphore_mem>>) src(%arg11 : memref<40x16xf32, #tpu.memory_space<vmem>>) dst(%dma_wait3A_102 : memref<40x16xf32, #tpu.memory_space<hbm>>)
        tpu.yield
      }) : () -> ()
      "tpu.region"() ({
        %run_scoped3A = tpu.sem_alloc : memref<!tpu.dma_semaphore, #tpu.memory_space<semaphore_mem>>
        %dma_start3A_95 = arith.constant 0 : i32
        %dma_start3A_96 = arith.constant 0 : i32
        %dma_start3A_97 = tpu.memref_slice %arg18[%dma_start3A_95, %dma_start3A_96] : memref<10112x128xf32, #tpu.memory_space<vmem_shared>> -> memref<10112x128xf32, #tpu.memory_space<vmem_shared>>
        tpu.enqueue_indirect_dma source(%arg12 : memref<40x128xf32, #tpu.memory_space<vmem>>) target(%dma_start3A_97 : memref<10112x128xf32, #tpu.memory_space<vmem_shared>>) offsets(%arg14 : memref<40xi32, #tpu.memory_space<vmem>>) semaphore(%run_scoped3A : memref<!tpu.dma_semaphore, #tpu.memory_space<semaphore_mem>>) {add = true}
        %dma_wait3A_98 = arith.constant 0 : i32
        %dma_wait3A_99 = arith.constant 0 : i32
        %dma_wait3A_100 = tpu.memref_slice %arg18[%dma_wait3A_98, %dma_wait3A_99] : memref<10112x128xf32, #tpu.memory_space<vmem_shared>> -> memref<10112x128xf32, #tpu.memory_space<vmem_shared>>
        tpu.wait_indirect_dma semaphore(%run_scoped3A : memref<!tpu.dma_semaphore, #tpu.memory_space<semaphore_mem>>) src(%arg12 : memref<40x128xf32, #tpu.memory_space<vmem>>) dst(%dma_wait3A_100 : memref<10112x128xf32, #tpu.memory_space<vmem_shared>>)
        tpu.yield
      }) : () -> ()
      %scan3A_94 = arith.constant 0 : i32
      scf.yield %scan3A_94 : i32
    }
    %scan3A_64 = arith.constant 125 : i32
    %barrier3A_65 = arith.constant 0 : index
    tpu.barrier barrier_id(%barrier3A_65)
    "tpu.region"() ({
      %run_scoped3A = tpu.sem_alloc : memref<!tpu.dma_semaphore, #tpu.memory_space<semaphore_mem>>
      %dma_start3A = arith.constant 0 : i32
      %dma_start3A_66 = tpu.memref_slice %arg8[%arg0, %mul3A_43, %dma_start3A] : memref<2x10112x128xf32, #tpu.memory_space<hbm>> -> memref<1x632x128xf32, #tpu.memory_space<hbm>>
      %dma_start3A_67 = tpu.memref_squeeze %dma_start3A_66 : memref<1x632x128xf32, #tpu.memory_space<hbm>> -> memref<632x128xf32, #tpu.memory_space<hbm>>
      %dma_start3A_68 = arith.constant 0 : i32
      %dma_start3A_69 = tpu.memref_slice %arg18[%mul3A_43, %dma_start3A_68] : memref<10112x128xf32, #tpu.memory_space<vmem_shared>> -> memref<632x128xf32, #tpu.memory_space<vmem_shared>>
      tpu.enqueue_dma source(%dma_start3A_69 : memref<632x128xf32, #tpu.memory_space<vmem_shared>>) target(%dma_start3A_67 : memref<632x128xf32, #tpu.memory_space<hbm>>) target_semaphore(%run_scoped3A : memref<!tpu.dma_semaphore, #tpu.memory_space<semaphore_mem>>)
      %dma_wait3A = arith.constant 0 : i32
      %dma_wait3A_70 = tpu.memref_slice %arg8[%arg0, %mul3A_43, %dma_wait3A] : memref<2x10112x128xf32, #tpu.memory_space<hbm>> -> memref<1x632x128xf32, #tpu.memory_space<hbm>>
      %dma_wait3A_71 = tpu.memref_squeeze %dma_wait3A_70 : memref<1x632x128xf32, #tpu.memory_space<hbm>> -> memref<632x128xf32, #tpu.memory_space<hbm>>
      %dma_wait3A_72 = arith.constant 0 : i32
      %dma_wait3A_73 = tpu.memref_slice %arg18[%mul3A_43, %dma_wait3A_72] : memref<10112x128xf32, #tpu.memory_space<vmem_shared>> -> memref<632x128xf32, #tpu.memory_space<vmem_shared>>
      tpu.wait_dma2 semaphore(%run_scoped3A : memref<!tpu.dma_semaphore, #tpu.memory_space<semaphore_mem>>) src(%dma_wait3A_73 : memref<632x128xf32, #tpu.memory_space<vmem_shared>>) dst(%dma_wait3A_71 : memref<632x128xf32, #tpu.memory_space<hbm>>)
      tpu.yield
    }) : () -> ()
    return
  }
}

</mosaic_0001>

<sc_bundles>
// kernel: _scores.3.cloned.1.call-start
scs
__scs_entry_jumppad:
0x0: {  	(pc) =	sbr.rel $0x88, $3  }
0x1: {  	(tag) =	ssettag $0x0;
	lr =	simm.s32 $0x1  }
0x2: {  	[smem:$0x3F9C] =	sst lr;
	_ =	strace $0xD0000000  }
0x3: {  	_ = 	snop  }
0x4: {  	_ = 	snop  }
0x5: {  	_ = 	snop  }
0x6: {  	_ = 	snop  }
0x7: {  	_ = 	snop  }
__scs_overlays_trampoline_lowered:
0x8: {  	[smem:$0x3FAB] =	sst s0  }
0x9: {  	[smem:$0x3FAC] =	sst s1  }
0xa: {  	[smem:$0x3FAD] =	sst s2  }
0xb: {  	[smem:$0x3FAE] =	sst s3  }
0xc: {  	[smem:$0x3FAF] =	sst s4  }
0xd: {  	[smem:$0x3FB0] =	sst s5  }
0xe: {  	[smem:$0x3FB1] =	sst s6  }
0xf: {  	[smem:$0x3FB2] =	sst s7  }
0x10: {  	[smem:$0x3FB3] =	sst s8  }
0x11: {  	[smem:$0x3FB4] =	sst s9;
	s0 =	simm.s32 @!p0 $0x0  }
0x12: {  	s1 =	sld [smem:$0x3F9A];
	s0 =	simm.s32 @p0 $0x1  }
0x13: {  	[smem:$0x3FB5] =	sst s0;
	s0 =	simm.s32 @!p1 $0x0  }
0x14: {  	s2 =	sld [smem:$0x3F99];
	s0 =	simm.s32 @p1 $0x1  }
0x15: {  	[smem:$0x3FB6] =	sst s0;
	s0 =	simm.s32 @!p2 $0x0  }
0x16: {  	s3 =	sld [smem:$0x3FDB];
	s0 =	simm.s32 @p2 $0x1  }
0x17: {  	s4 =	simm.s32 $0x1BF5;
	[smem:$0x3FB8] =	sst s0  }
0x18: {  	s0 =	sld [smem:$0x3F9B];
	_ =	swait.ge [sflag:s4], $0x0  }
0x19: {  	s7 =	sld [smem:$0x3F9C]  }
0x1a: {  	s8 =	sadd.s32 $0xFFFFE003, lr  }
0x1b: {  	s9 =	sadd.s32 $0xFFFFFEF7, lr;
	s5 =	simm.s32 $0xFFFFFFFF;
	p2 =	slt.u32 s8, $0xFFFFF086  }
0x1c: {  	p1 =	slt.u32 s9, $0xF7A;
	s5 =	simm.s32 @!p2 $0x0  }
0x1d: {  	s5 =	simm.s32 @p1 $0x1;
	p0 =	seq.s32 s7, s2  }
0x1e: {  	s7 =	smul.u32 @!p0 $0xF7A, s2;
	p2 =	seq.s32 @!p0 s5, $0x0  }
0x1f: {  	s9 =	smul.u32 $0xF7A, s1;
	s8 =	simm.s32 @!p0 $0x1BF5;
	p2 =	por !p2, p0  }
0x20: {  	[sflag:s8] =	ssyncset.s32 @!p0 $0xFFFFF086;
	s6 =	sadd.s32 @!p0 s3, s7;
	s7 =	simm.s32 @!p0 $0x108  }
0x21: {  	s3 =	sadd.s32 s3, s9;
	s6 =	sadd.s32 @!p0 $0x88, s6;
	s7 =	simm.s32 @p2 $0x1082  }
0x22: {  	[simem:s7], [sflag:s8] =	dma.local @!p0 [hbm:s6], $0xF7A  }
0x23: {  	s9 =	sor.u32 $0xD0000000, s2;
	s6 =	simm.s32 $0x108;
	_ =	swait.ge @!p0 [sflag:s8], $0x0  }
0x24: {  	s3 =	sadd.s32 $0x88, s3;
	s6 =	simm.s32 @!p1 $0x1082;
	[sflag:s4] =	ssyncset.s32 $0xFFFFF086  }
0x25: {  	[simem:s6], [sflag:s4] =	dma.local [hbm:s3], $0xF7A  }
0x26: {  	[smem:$0x3F9C] =	sst s1;
	(tag) =	ssettag s2;
	_ =	strace s9  }
0x27: {  	s1 =	sld [smem:$0x3FAC]  }
0x28: {  	s2 =	sld [smem:$0x3FAD]  }
0x29: {  	s4 =	sld [smem:$0x3FAF]  }
0x2a: {  	p0 =	seq.s32 s5, $0x0;
	s5 =	sld [smem:$0x3FB0]  }
0x2b: {  	s6 =	sld [smem:$0x3FB1]  }
0x2c: {  	s7 =	sld [smem:$0x3FB2]  }
0x2d: {  	s3 =	simm.s32 $0x108;
	s8 =	sld [smem:$0x3FB3]  }
0x2e: {  	s3 =	simm.s32 @!p0 $0x1082;
	s9 =	sld [smem:$0x3FB4]  }
0x2f: {  	lr =	sadd.s32 s0, s3;
	s0 =	sld [smem:$0x3FAB]  }
0x30: {  	s3 =	sld [smem:$0x3FAE]  }
0x31: {  	[smem:$0x3FB7] =	sst s10  }
0x32: {  	s10 =	sld [smem:$0x3FB5];
	_ =	sdelay $0x3  }
0x33: {  	p0 =	seq.s32 s10, $0x1;
	s10 =	sld [smem:$0x3FB7];
	_ =	sdelay $0x3  }
0x34: {  	[smem:$0x3FB7] =	sst s10  }
0x35: {  	s10 =	sld [smem:$0x3FB6];
	_ =	sdelay $0x3  }
0x36: {  	p1 =	seq.s32 s10, $0x1;
	s10 =	sld [smem:$0x3FB7];
	_ =	sdelay $0x3  }
0x37: {  	[smem:$0x3FB7] =	sst s10  }
0x38: {  	s10 =	sld [smem:$0x3FB8]  }
0x39: {  	_ = 	snop;
	(pc) =	sbr.ind lr, $3  }
0x3a: {  	_ = 	snop  }
0x3b: {  	_ = 	snop  }
0x3c: {  	p2 =	seq.s32 s10, $0x1;
	s10 =	sld [smem:$0x3FB7]  }
0x3d: {  	_ =	shalt  }
0x3e: {  	_ =	shalt  }
0x3f: {  	_ =	shalt  }
0x40: {  	_ =	shalt  }
0x41: {  	_ =	shalt  }
0x42: {  	_ =	shalt  }
0x43: {  	_ =	shalt  }
0x44: {  	_ =	shalt  }
0x45: {  	_ =	shalt  }
0x46: {  	_ =	shalt  }
0x47: {  	_ =	shalt  }
0x48: {  	_ =	shalt  }
0x49: {  	_ =	shalt  }
0x4a: {  	_ =	shalt  }
0x4b: {  	_ =	shalt  }
0x4c: {  	_ =	shalt  }
0x4d: {  	_ =	shalt  }
0x4e: {  	_ =	shalt  }
0x4f: {  	_ =	shalt  }
0x50: {  	_ =	shalt  }
0x51: {  	_ =	shalt  }
0x52: {  	_ =	shalt  }
0x53: {  	_ =	shalt  }
0x54: {  	_ =	shalt  }
0x55: {  	_ =	shalt  }
0x56: {  	_ =	shalt  }
0x57: {  	_ =	shalt  }
0x58: {  	_ =	shalt  }
0x59: {  	_ =	shalt  }
0x5a: {  	_ =	shalt  }
0x5b: {  	_ =	shalt  }
0x5c: {  	_ =	shalt  }
0x5d: {  	_ =	shalt  }
0x5e: {  	_ =	shalt  }
0x5f: {  	_ =	shalt  }
0x60: {  	_ =	shalt  }
0x61: {  	_ =	shalt  }
0x62: {  	_ =	shalt  }
0x63: {  	_ =	shalt  }
0x64: {  	_ =	shalt  }
0x65: {  	_ =	shalt  }
0x66: {  	_ =	shalt  }
0x67: {  	_ =	shalt  }
0x68: {  	_ =	shalt  }
0x69: {  	_ =	shalt  }
0x6a: {  	_ =	shalt  }
0x6b: {  	_ =	shalt  }
0x6c: {  	_ =	shalt  }
0x6d: {  	_ =	shalt  }
0x6e: {  	_ =	shalt  }
0x6f: {  	_ =	shalt  }
0x70: {  	_ =	shalt  }
0x71: {  	_ =	shalt  }
0x72: {  	_ =	shalt  }
0x73: {  	_ =	shalt  }
0x74: {  	_ =	shalt  }
0x75: {  	_ =	shalt  }
0x76: {  	_ =	shalt  }
0x77: {  	_ =	shalt  }
0x78: {  	_ =	shalt  }
0x79: {  	_ =	shalt  }
0x7a: {  	_ =	shalt  }
0x7b: {  	_ =	shalt  }
0x7c: {  	_ =	shalt  }
0x7d: {  	_ =	shalt  }
0x7e: {  	_ =	shalt  }
0x7f: {  	_ =	shalt  }
0x80: {  	_ =	shalt  }
0x81: {  	_ =	shalt  }
0x82: {  	_ =	shalt  }
0x83: {  	_ =	shalt  }
0x84: {  	_ =	shalt  }
0x85: {  	_ =	shalt  }
0x86: {  	_ =	shalt  }
0x87: {  	_ =	shalt  }
.Lfunc_end0:
.L_simem_size_0:
called_computation_lowered:
.L_overlay_start_0:
0x88: {  	s2 =	sld [smem:$0x3FD9]  }
0x89: {  	s3 =	sld [smem:$0x3FFE];
	_ =	sdelay $0x1  }
0x8a: {  	s1 =	srdreg.scid  }
0x8b: {  	s0 =	sand.u32 $0x1, s1  }
0x8c: {  	s14 =	sshll.u32 s0, $0xA;
	s2 =	sadd.s32 s3, s2  }
0x8d: {  	s2 =	sadd.s32 s2, s14  }
0x8e: {  	[smem:$0x3FC3] =	sst s2  }
0x8f: {  	_ = 	snop  }
0x90: {  	s2 =	sld [smem:$0x3FC9]  }
0x91: {  	s15 =	sld [smem:$0x3FC8]  }
0x92: {  	s4 =	sld [smem:$0x3FD0]  }
0x93: {  	s5 =	sld [smem:$0x3FC7]  }
0x94: {  	s6 =	sld [smem:$0x3FC6]  }
0x95: {  	s8 =	simm.s32 $0xA;
	s9 =	simm.s32 $0x10;
	s7 =	sld [smem:$0x3FC5]  }
0x96: {  	[smem:s9], [sflag:s8] =	dma.local [hbm:s4], $0x1  }
0x97: {  	_ =	swait.eq [sflag:s8], $0x1  }
0x98: {  	[sflag:s8] =	ssyncset.done $0x0  }
0x99: {  	[sflag:s8] =	ssyncadd.s32 $0xFFFFFFFF  }
0x9a: {  	s16 =	sld [smem:$0x11];
	(tm) =	ssettm $0x1  }
0x9b: {  	s17 =	sld [smem:$0x3FFB];
	_ =	sdelay $0x3  }
0x9c: {  	_ =	strace s17  }
0x9d: {  	s8 =	sld [smem:$0x3FFC];
	_ =	sdelay $0x3  }
0x9e: {  	_ =	strace s8  }
0x9f: {  	s8 =	sld [smem:$0x3FFD];
	_ =	sdelay $0x3  }
0xa0: {  	_ =	strace s8  }
0xa1: {  	_ =	strace $0x8FFFFFFF  }
0xa2: {  	s18 =	sld [smem:$0x3FDB];
	_ =	sdelay $0x1  }
0xa3: {  	s19 =	simm.s32 $_scs_section_size  }
0xa4: {  	s10 =	simm.s32 $_size__tile_overlayer_lowered;
	s11 =	simm.s32 $_tile_overlayer_lowered  }
0xa5: {  	s22 =	simm.s32 $0x1BFF;
	s21 =	sshll.u32 s11, $0x1;
	s8 =	sadd.s32 s19, s18  }
0xa6: {  	s12 =	simm.s32 $0x0;
	s20 =	sshll.u32 s10, $0x1;
	s10 =	sadd.s32 s21, s8  }
0xa7: {  	[timem:s12], [sflag:s22] =	dma.local [hbm:s10], s20  }
0xa8: {  	_ =	swait.ge [sflag:s22], s20  }
0xa9: {  	s9 =	ssub.s32 $0x0, s20;
	[sflag:s22] =	ssyncset.done $0x0  }
0xaa: {  	[sflag:s22] =	ssyncadd.s32 s9;
	_ =	sdelay $0x1  }
0xab: {  	s23 =	simm.s32 $0x1B8B  }
0xac: {  	_ =	swait.ge [sflag:s23], $0x1  }
0xad: {  	[sflag:s23] =	ssyncset.done $0x0  }
0xae: {  	s25 =	simm.s32 $0x1B8E;
	s24 =	sld [smem:$0x3FFE];
	[sflag:s23] =	ssyncadd.s32 $0xFFFFFFFF  }
0xaf: {  	s26 =	simm.s32 $execute0_lowered;
	[smem:$0x3FD2] =	sst s25  }
0xb0: {  	s10 =	sshll.u32 s26, $0x1;
	_ =	strace $0x80000046;
	[dreg:$0x1] =	wrdreg $0xFFFFFFFF  }
0xb1: {  	s28 =	simm.s32 $_size_execute0_lowered;
	s8 =	sadd.s32 s8, s10;
	[dreg:$0x0] =	wrdreg $0x0  }
0xb2: {  	s10 =	sshll.u32 s28, $0x1;
	[dreg:$0x2] =	wrdreg s8  }
0xb3: {  	[dreg:$0x3] =	wrdreg s10  }
0xb4: {  	[dreg:$0x4] =	wrdreg $0xC0  }
0xb5: {  	_ =	task [dreg:s12], $0x5FFFF  }
0xb6: {  	[dreg:$0x1] =	wrdreg $0xFFFFFFFF  }
0xb7: {  	[dreg:$0x0] =	wrdreg $0x60  }
0xb8: {  	[dreg:$0x2] =	wrdreg s2  }
0xb9: {  	[dreg:$0x3] =	wrdreg s15  }
0xba: {  	[dreg:$0x4] =	wrdreg s5  }
0xbb: {  	[dreg:$0x5] =	wrdreg s6  }
0xbc: {  	[dreg:$0x6] =	wrdreg s7  }
0xbd: {  	[dreg:$0x7] =	wrdreg s24  }
0xbe: {  	[dreg:$0x8] =	wrdreg s16  }
0xbf: {  	[dreg:$0x9] =	wrdreg $0x85800  }
0xc0: {  	[dreg:$0xa] =	wrdreg $0x9  }
0xc1: {  	_ =	task.clear_ibuf [dreg:s12], $0xBFFFF;
	_ =	strace $0x90000046  }
0xc2: {  	s29 =	simm.s32 $0x9;
	_ =	strace $0x80000048  }
0xc3: {  	_ =	swait.ge [sflag:s29], $0x1  }
0xc4: {  	[sflag:s29] =	ssyncadd.s32 $0xFFFFFFFF  }
0xc5: {  	_ =	strace $0x90000048  }
0xc6: {  	_ =	sfence  }
0xc7: {  	s30 =	sld [smem:$0x0];
	_ =	sdelay $0x2  }
0xc8: {  	s31 =	sshll.u32 s1, $0xD;
	s1 =	sshrl.u32 s1, $0x2  }
0xc9: {  	s3 =	sand.u32 $0x4000, s31;
	s1 =	sadd.s32 s1, s30  }
0xca: {  	s0 =	sor.u32 s3, s0;
	s1 =	sshll.u32 s1, $0x11  }
0xcb: {  	s0 =	sor.u32 s1, s0  }
0xcc: {  	s0 =	sadd.s32 $0x8F2B, s0  }
0xcd: {  	[sflag:s0] =	ssyncadd.remote.s32 $0x1  }
0xce: {  	_ =	sfence.sel $0xFFFF  }
0xcf: {  	[dreg:$0x0] =	wrdreg $0xFFFFFFFF;
	(pc) =	sbr.abs _section_cstart, $3  }
0xd0: {  	[dreg:$0x1] =	wrdreg $0xFFFFFFFF  }
0xd1: {  	_ =	task.clear_ibuf [dreg:s12], $0x2FFFF;
	_ =	strace $0x9FFFFFFF  }
0xd2: {  	(tm) =	ssettm $0x7FFFFFFF  }
0xd3: {  	_ =	shalt  }
tec
execute0_lowered:
.L_overlay_start_1:
0x0: {  	(tag) =	ssettag $0x1  }
0x1: {  	s0 =	rddreg [dreg:$0x0]  }
0x2: {  	s1 =	rddreg [dreg:$0x1]  }
0x3: {  	s3 =	rddreg [dreg:$0x2]  }
0x4: {  	s4 =	rddreg [dreg:$0x3]  }
0x5: {  	s5 =	rddreg [dreg:$0x4]  }
0x6: {  	s2 =	rddreg [dreg:$0x5]  }
0x7: {  	s7 =	rddreg [dreg:$0x6]  }
0x8: {  	s6 =	rddreg [dreg:$0x7];
	s8 =	simm.s32 $0x0;
	s9 =	srdreg.scid  }
0x9: {  	s15 =	stileid.u32;
	s16 =	simm.s32 $0x8000;
	s17 =	simm.s32 $0x8080  }
0xa: {  	s18 =	simm.s32 $0x8100;
	s19 =	simm.s32 $0x50;
	s20 =	simm.s32 $0x2800  }
0xb: {  	s21 =	simm.s32 $0x1;
	s22 =	simm.s32 $0x2;
	s23 =	simm.s32 $0x7800  }
0xc: {  	s24 =	simm.s32 $0x5000;
	s25 =	simm.s32 $0x6400;
	s28 =	simm.s32 $0x0  }
0xd: {  	v16 =	vlaneseq.u32;
	s29 =	simm.s32 $0x0;
	[smem:$0x7FF] =	sst s8;
	s13 =	smul.u32 $0x13C00, s15  }
0xe: {  	s10 =	sand.u32 $0x1, s9;
	s9 =	sadd.s32 $0x800, s2;
	s14 =	smul.u32 $0x4F000, s15;
	v0 =	vmul.u32 $0x80, v16;
	v18 =	vshrl.u32 v16, $0x1;
	v16 =	vand.u32 $0x1, v16  }
0xf: {  	v1 =	vimm.f32 $0.0e+00;
	s11 =	smul.u32 $0x13C000, s10;
	s12 =	ssub.s32 $0x2, s10;
	s10 =	sshll.u32 s10, $0x4;
	v18 =	vmul.u32 $0x80, v18;
	v19 =	vor.u32 $0x2, v16  }
0x10: {  	_ =	strace $0x80000047;
	s26 =	sshrl.u32 s12, $0x1;
	s30 =	sor.u32 s15, s10;
	v2 =	vor.u32 $0x1, v0;
	v3 =	vor.u32 $0x2, v0;
	v4 =	vor.u32 $0x3, v0  }
0x11: {  	s31 =	sshrl.u32 s14, $0x2;
	v5 =	vor.u32 $0x4, v0;
	s14 =	simm.s32 $0x8180;
	v6 =	vor.u32 $0x5, v0;
	v7 =	vor.u32 $0x6, v0;
	s11 =	sadd.s32 s13, s11  }
0x12: {  	s15 =	simm.s32 $0x3;
	v8 =	vor.u32 $0x7, v0;
	v9 =	vor.u32 $0x8, v0;
	v10 =	vor.u32 $0x9, v0;
	s2 =	ssub.s32 s12, s26;
	s13 =	sshrl.u32 s11, $0x3  }
0x13: {  	v11 =	vor.u32 $0xA, v0;
	v12 =	vor.u32 $0xB, v0;
	v13 =	vor.u32 $0xC, v0;
	s10 =	sadd.s32 s31, s6;
	s26 =	simm.s32 $0x28;
	s7 =	sadd.s32 s7, s13  }
0x14: {  	v14 =	vor.u32 $0xD, v0;
	v15 =	vor.u32 $0xE, v0;
	v17 =	vor.u32 $0xF, v0;
	s11 =	smul.u32 $0x1388, s30;
	s13 =	smax.u32 s2, $0x1;
	[dreg:$0x9] =	wrdreg s7  }
.LBB2_1:
0x15: {  	[tilespmem:$0x8180] =	vst v1  }
0x16: {  	[tilespmem:$0x8190] =	vst v1  }
0x17: {  	[tilespmem:$0x81A0] =	vst v1  }
0x18: {  	[tilespmem:$0x81B0] =	vst v1  }
0x19: {  	[tilespmem:$0x81C0] =	vst v1  }
0x1a: {  	[tilespmem:$0x81D0] =	vst v1  }
0x1b: {  	[tilespmem:$0x81E0] =	vst v1  }
0x1c: {  	[tilespmem:$0x81F0] =	vst v1  }
0x1d: {  	[tilespmem:$0x8200] =	vst v1  }
0x1e: {  	[tilespmem:$0x8210] =	vst v1  }
0x1f: {  	[tilespmem:$0x8220] =	vst v1  }
0x20: {  	[tilespmem:$0x8230] =	vst v1  }
0x21: {  	[tilespmem:$0x8240] =	vst v1  }
0x22: {  	[tilespmem:$0x8250] =	vst v1  }
0x23: {  	[tilespmem:$0x8260] =	vst v1  }
0x24: {  	[tilespmem:$0x8270] =	vst v1  }
0x25: {  	[tilespmem:$0x8280] =	vst v1  }
0x26: {  	[tilespmem:$0x8290] =	vst v1  }
0x27: {  	[tilespmem:$0x82A0] =	vst v1  }
0x28: {  	[tilespmem:$0x82B0] =	vst v1  }
0x29: {  	[tilespmem:$0x82C0] =	vst v1  }
0x2a: {  	[tilespmem:$0x82D0] =	vst v1  }
0x2b: {  	[tilespmem:$0x82E0] =	vst v1  }
0x2c: {  	[tilespmem:$0x82F0] =	vst v1  }
0x2d: {  	[tilespmem:$0x8300] =	vst v1  }
0x2e: {  	[tilespmem:$0x8310] =	vst v1  }
0x2f: {  	[tilespmem:$0x8320] =	vst v1  }
0x30: {  	[tilespmem:$0x8330] =	vst v1  }
0x31: {  	[tilespmem:$0x8340] =	vst v1  }
0x32: {  	[tilespmem:$0x8350] =	vst v1  }
0x33: {  	[tilespmem:$0x8360] =	vst v1  }
0x34: {  	[tilespmem:$0x8370] =	vst v1  }
0x35: {  	[tilespmem:$0x8380] =	vst v1  }
0x36: {  	[tilespmem:$0x8390] =	vst v1  }
0x37: {  	[tilespmem:$0x83A0] =	vst v1  }
0x38: {  	[tilespmem:$0x83B0] =	vst v1  }
0x39: {  	[tilespmem:$0x83C0] =	vst v1  }
0x3a: {  	[tilespmem:$0x83D0] =	vst v1  }
0x3b: {  	[tilespmem:$0x83E0] =	vst v1  }
0x3c: {  	[tilespmem:$0x83F0] =	vst v1  }
0x3d: {  	[tilespmem:$0x8400] =	vst v1  }
0x3e: {  	[tilespmem:$0x8410] =	vst v1  }
0x3f: {  	[tilespmem:$0x8420] =	vst v1  }
0x40: {  	[tilespmem:$0x8430] =	vst v1  }
0x41: {  	[tilespmem:$0x8440] =	vst v1  }
0x42: {  	[tilespmem:$0x8450] =	vst v1  }
0x43: {  	[tilespmem:$0x8460] =	vst v1  }
0x44: {  	[tilespmem:$0x8470] =	vst v1  }
0x45: {  	[tilespmem:$0x8480] =	vst v1  }
0x46: {  	[tilespmem:$0x8490] =	vst v1  }
0x47: {  	[tilespmem:$0x84A0] =	vst v1  }
0x48: {  	[tilespmem:$0x84B0] =	vst v1  }
0x49: {  	[tilespmem:$0x84C0] =	vst v1  }
0x4a: {  	[tilespmem:$0x84D0] =	vst v1  }
0x4b: {  	[tilespmem:$0x84E0] =	vst v1  }
0x4c: {  	[tilespmem:$0x84F0] =	vst v1  }
0x4d: {  	[tilespmem:$0x8500] =	vst v1  }
0x4e: {  	[tilespmem:$0x8510] =	vst v1  }
0x4f: {  	[tilespmem:$0x8520] =	vst v1  }
0x50: {  	[tilespmem:$0x8530] =	vst v1  }
0x51: {  	[tilespmem:$0x8540] =	vst v1  }
0x52: {  	[tilespmem:$0x8550] =	vst v1  }
0x53: {  	[tilespmem:$0x8560] =	vst v1  }
0x54: {  	[tilespmem:$0x8570] =	vst v1;
	s2 =	sadd.s32 $0x0, s10  }
0x55: {  	[spmem:s2] =	stream.linear.scatter [tilespmem:s14], [sflag:$0x3], $0x400, $0x38;
	[tilespmem:$0x1C180] =	vst v63  }
0x56: {  	s2 =	simm.s32 $0x1000;
	_ =	swait.ge [sflag:s15], $0x400  }
.LBB2_2:
0x57: {  	s7 =	sshra.s32 s2, $0x2;
	[sflag:s15] =	ssyncset.done $0x0;
	p0 =	sne.s32 s2, $0x4E000  }
.Ltmp0:
0x58: {  	s7 =	sadd.s32 s7, s10;
	[sflag:s15] =	ssyncadd.s32 $0xFFFFFC00;
	(pc) =	sbr.rel @p0 .LBB2_2-.Ltmp0, $3  }
0x59: {  	[spmem:s7] =	stream.linear.scatter [tilespmem:s14], [sflag:$0x3], $0x400, $0x38;
	[tilespmem:$0x1C180] =	vst v63  }
0x5a: {  	s2 =	sadd.s32 $0x1000, s2;
	_ =	sdelay $0x1  }
0x5b: {  	_ =	swait.ge [sflag:s15], $0x400  }
0x5c: {  	[sflag:s15] =	ssyncset.done $0x0  }
0x5d: {  	s2 =	simm.s32 $0x0;
	s7 =	simm.s32 $0x200;
	[sflag:s15] =	ssyncadd.s32 $0xFFFFFC00  }
.LBB2_4:
0x5e: {  	p0 =	sne.s32 s7, $0x4E00;
	[tilespmem:s2+$0x6470] =	vst v1  }
0x5f: {  	[tilespmem:s2+$0x5000] =	vst v1  }
0x60: {  	[tilespmem:s2+$0x6400] =	vst v1  }
0x61: {  	[tilespmem:s2+$0x6410] =	vst v1  }
.Ltmp1:
0x62: {  	[tilespmem:s2+$0x6420] =	vst v1;
	(pc) =	sbr.rel @p0 .LBB2_4-.Ltmp1, $4  }
0x63: {  	[tilespmem:s2+$0x6430] =	vst v1  }
0x64: {  	[tilespmem:s2+$0x6440] =	vst v1  }
0x65: {  	[tilespmem:s2+$0x6450] =	vst v1  }
0x66: {  	[tilespmem:s2+$0x6460] =	vst v1;
	s2 =	sshra.s32 s7, $0x2;
	s7 =	sadd.s32 $0x200, s7  }
0x67: {  	[tilespmem:s2+$0x6470] =	vst v1  }
0x68: {  	[tilespmem:s2+$0x5000] =	vst v1  }
0x69: {  	[tilespmem:s2+$0x6400] =	vst v1  }
0x6a: {  	[tilespmem:s2+$0x6410] =	vst v1  }
0x6b: {  	[tilespmem:s2+$0x6420] =	vst v1  }
0x6c: {  	[tilespmem:s2+$0x6430] =	vst v1  }
0x6d: {  	[tilespmem:s2+$0x6440] =	vst v1  }
0x6e: {  	[tilespmem:s2+$0x6450] =	vst v1  }
0x6f: {  	[tilespmem:s2+$0x6460] =	vst v1  }
0x70: {  	s30 =	simm.s32 $0x0;
	[bflag:$0x0] =	sbarrier.arrive $0xFFFF  }
.LBB2_6:
0x71: {  	s2 =	smul.u32 $0x28, s30;
	_ =	sdelay $0x1  }
0x72: {  	s31 =	sadd.s32 s11, s2  }
0x73: {  	s2 =	sshrl.u32 s31, $0x3  }
0x74: {  	s2 =	sadd.s32 s5, s2  }
0x75: {  	[tilespmem:s16], [sflag:$0x3] =	stream.linear.gather [hbm4b:s2+s29], $0x28, $0x38;
	[tilespmem:$0x1C180] =	vst v63  }
0x76: {  	_ =	swait.ge [sflag:s15], $0x28  }
0x77: {  	s12 =	sshrl.u32 s31, $0x2;
	[sflag:s15] =	ssyncset.done $0x0  }
0x78: {  	s7 =	sadd.s32 s3, s12;
	[sflag:s15] =	ssyncadd.s32 $0xFFFFFFD8  }
0x79: {  	[tilespmem:s17], [sflag:$0x3] =	stream.linear.gather [hbm4b:s7+s29], $0x50, $0x38;
	[tilespmem:$0x1C180] =	vst v63  }
0x7a: {  	_ =	swait.ge [sflag:s15], $0x50  }
0x7b: {  	[sflag:s15] =	ssyncset.done $0x0  }
0x7c: {  	s2 =	sadd.s32 s4, s12;
	[sflag:s15] =	ssyncadd.s32 $0xFFFFFFB0  }
0x7d: {  	[tilespmem:s18], [sflag:$0x3] =	stream.linear.gather [hbm4b:s2+s29], $0x50, $0x38;
	[tilespmem:$0x1C180] =	vst v63  }
0x7e: {  	_ =	swait.ge [sflag:s15], $0x50  }
0x7f: {  	[sflag:s15] =	ssyncset.done $0x0  }
0x80: {  	[sflag:s15] =	ssyncadd.s32 $0xFFFFFFB0  }
0x81: {  	[tilespmem:s29], [sflag:$0x1] =	stream.indirect.gather [hbm4b:s0+s19], $0x80, s17, s19, $0xb8;
	[tilespmem:$0x1C180] =	vst v63  }
0x82: {  	_ = 	snop  }
0x83: {  	[tilespmem:s20], [sflag:$0x2] =	stream.indirect.gather [hbm4b:s1+s19], $0x80, s18, s19, $0xb8;
	[tilespmem:$0x1C180] =	vst v63  }
0x84: {  	_ =	swait.ge [sflag:s21], $0x2800  }
0x85: {  	[sflag:s21] =	ssyncset.done $0x0  }
0x86: {  	[sflag:s21] =	ssyncadd.s32 $0xFFFFD800  }
0x87: {  	_ =	swait.ge [sflag:s22], $0x2800  }
0x88: {  	[sflag:s22] =	ssyncset.done $0x0  }
0x89: {  	s2 =	simm.s32 $0x0;
	[sflag:s22] =	ssyncadd.s32 $0xFFFFD800  }
.LBB2_7:
0x8a: {  	s7 =	sshll.u32 s2, $0xB  }
0x8b: {  	v20 =	vld [tilespmem:s7+$0x0]  }
0x8c: {  	v21 =	vld [tilespmem:s7+$0x2800]  }
0x8d: {  	v22 =	vld [tilespmem:s7+$0x10]  }
0x8e: {  	v23 =	vld [tilespmem:s7+$0x2810]  }
0x8f: {  	v24 =	vld [tilespmem:s7+$0x20]  }
0x90: {  	v25 =	vld [tilespmem:s7+$0x2820]  }
0x91: {  	v26 =	vld [tilespmem:s7+$0x30]  }
0x92: {  	v27 =	vld [tilespmem:s7+$0x2830]  }
0x93: {  	v20 =	vmul.f32 v21, v20;
	v57 =	vmul.f32 v23, v22;
	_ =	sdelay $0x1  }
0x94: {  	v58 =	vmul.f32 v25, v24;
	v20 =	vadd.f32 v57, v20;
	_ =	sdelay $0x1  }
0x95: {  	v59 =	vmul.f32 v27, v26;
	v20 =	vadd.f32 v58, v20;
	_ =	sdelay $0x1  }
0x96: {  	v20 =	vadd.f32 v59, v20;
	_ =	sdelay $0x1  }
0x97: {  	[tilespmem:v0+s23+$0x0] =	vst.idx.msk $0xffff, v20  }
0x98: {  	v20 =	vld [tilespmem:s7+$0x40]  }
0x99: {  	v60 =	vld [tilespmem:s7+$0x2840]  }
0x9a: {  	v61 =	vld [tilespmem:s7+$0x50]  }
0x9b: {  	v62 =	vld [tilespmem:s7+$0x2850]  }
0x9c: {  	v63 =	vld [tilespmem:s7+$0x60]  }
0x9d: {  	v30 =	vld [tilespmem:s7+$0x2860]  }
0x9e: {  	v31 =	vld [tilespmem:s7+$0x70]  }
0x9f: {  	v32 =	vld [tilespmem:s7+$0x2870]  }
0xa0: {  	v20 =	vmul.f32 v60, v20;
	v33 =	vmul.f32 v62, v61;
	_ =	sdelay $0x1  }
0xa1: {  	v34 =	vmul.f32 v30, v63;
	v20 =	vadd.f32 v33, v20;
	_ =	sdelay $0x1  }
0xa2: {  	v35 =	vmul.f32 v32, v31;
	v20 =	vadd.f32 v34, v20;
	_ =	sdelay $0x1  }
0xa3: {  	v20 =	vadd.f32 v35, v20;
	_ =	sdelay $0x1  }
0xa4: {  	[tilespmem:v2+s23+$0x0] =	vst.idx.msk $0xffff, v20  }
0xa5: {  	v20 =	vld [tilespmem:s7+$0x100]  }
0xa6: {  	v36 =	vld [tilespmem:s7+$0x2900]  }
0xa7: {  	v37 =	vld [tilespmem:s7+$0x110]  }
0xa8: {  	v38 =	vld [tilespmem:s7+$0x2910]  }
0xa9: {  	v39 =	vld [tilespmem:s7+$0x120]  }
0xaa: {  	v40 =	vld [tilespmem:s7+$0x2920]  }
0xab: {  	v41 =	vld [tilespmem:s7+$0x130]  }
0xac: {  	v42 =	vld [tilespmem:s7+$0x2930]  }
0xad: {  	v20 =	vmul.f32 v36, v20;
	v43 =	vmul.f32 v38, v37;
	_ =	sdelay $0x1  }
0xae: {  	v44 =	vmul.f32 v40, v39;
	v20 =	vadd.f32 v43, v20;
	_ =	sdelay $0x1  }
0xaf: {  	v45 =	vmul.f32 v42, v41;
	v20 =	vadd.f32 v44, v20;
	_ =	sdelay $0x1  }
0xb0: {  	v20 =	vadd.f32 v45, v20;
	_ =	sdelay $0x1  }
0xb1: {  	[tilespmem:v3+s23+$0x0] =	vst.idx.msk $0xffff, v20  }
0xb2: {  	v20 =	vld [tilespmem:s7+$0x140]  }
0xb3: {  	v46 =	vld [tilespmem:s7+$0x2940]  }
0xb4: {  	v47 =	vld [tilespmem:s7+$0x150]  }
0xb5: {  	v48 =	vld [tilespmem:s7+$0x2950]  }
0xb6: {  	v49 =	vld [tilespmem:s7+$0x160]  }
0xb7: {  	v50 =	vld [tilespmem:s7+$0x2960]  }
0xb8: {  	v51 =	vld [tilespmem:s7+$0x170]  }
0xb9: {  	v52 =	vld [tilespmem:s7+$0x2970]  }
0xba: {  	v20 =	vmul.f32 v46, v20;
	v53 =	vmul.f32 v48, v47;
	_ =	sdelay $0x1  }
0xbb: {  	v54 =	vmul.f32 v50, v49;
	v20 =	vadd.f32 v53, v20;
	_ =	sdelay $0x1  }
0xbc: {  	v55 =	vmul.f32 v52, v51;
	v20 =	vadd.f32 v54, v20;
	_ =	sdelay $0x1  }
0xbd: {  	v20 =	vadd.f32 v55, v20;
	_ =	sdelay $0x1  }
0xbe: {  	[tilespmem:v4+s23+$0x0] =	vst.idx.msk $0xffff, v20  }
0xbf: {  	v20 =	vld [tilespmem:s7+$0x200]  }
0xc0: {  	v56 =	vld [tilespmem:s7+$0x2A00]  }
0xc1: {  	v57 =	vld [tilespmem:s7+$0x210]  }
0xc2: {  	v58 =	vld [tilespmem:s7+$0x2A10]  }
0xc3: {  	v59 =	vld [tilespmem:s7+$0x220]  }
0xc4: {  	v60 =	vld [tilespmem:s7+$0x2A20]  }
0xc5: {  	v61 =	vld [tilespmem:s7+$0x230]  }
0xc6: {  	v62 =	vld [tilespmem:s7+$0x2A30]  }
0xc7: {  	v20 =	vmul.f32 v56, v20;
	v63 =	vmul.f32 v58, v57;
	_ =	sdelay $0x1  }
0xc8: {  	v28 =	vmul.f32 v60, v59;
	v20 =	vadd.f32 v63, v20;
	_ =	sdelay $0x1  }
0xc9: {  	v29 =	vmul.f32 v62, v61;
	v20 =	vadd.f32 v28, v20;
	_ =	sdelay $0x1  }
0xca: {  	v20 =	vadd.f32 v29, v20;
	_ =	sdelay $0x1  }
0xcb: {  	[tilespmem:v5+s23+$0x0] =	vst.idx.msk $0xffff, v20  }
0xcc: {  	v20 =	vld [tilespmem:s7+$0x240]  }
0xcd: {  	v30 =	vld [tilespmem:s7+$0x2A40]  }
0xce: {  	v31 =	vld [tilespmem:s7+$0x250]  }
0xcf: {  	v32 =	vld [tilespmem:s7+$0x2A50]  }
0xd0: {  	v33 =	vld [tilespmem:s7+$0x260]  }
0xd1: {  	v34 =	vld [tilespmem:s7+$0x2A60]  }
0xd2: {  	v35 =	vld [tilespmem:s7+$0x270]  }
0xd3: {  	v36 =	vld [tilespmem:s7+$0x2A70]  }
0xd4: {  	v20 =	vmul.f32 v30, v20;
	v37 =	vmul.f32 v32, v31;
	_ =	sdelay $0x1  }
0xd5: {  	v38 =	vmul.f32 v34, v33;
	v20 =	vadd.f32 v37, v20;
	_ =	sdelay $0x1  }
0xd6: {  	v39 =	vmul.f32 v36, v35;
	v20 =	vadd.f32 v38, v20;
	_ =	sdelay $0x1  }
0xd7: {  	v20 =	vadd.f32 v39, v20;
	_ =	sdelay $0x1  }
0xd8: {  	[tilespmem:v6+s23+$0x0] =	vst.idx.msk $0xffff, v20  }
0xd9: {  	v20 =	vld [tilespmem:s7+$0x300]  }
0xda: {  	v40 =	vld [tilespmem:s7+$0x2B00]  }
0xdb: {  	v41 =	vld [tilespmem:s7+$0x310]  }
0xdc: {  	v42 =	vld [tilespmem:s7+$0x2B10]  }
0xdd: {  	v43 =	vld [tilespmem:s7+$0x320]  }
0xde: {  	v44 =	vld [tilespmem:s7+$0x2B20]  }
0xdf: {  	v45 =	vld [tilespmem:s7+$0x330]  }
0xe0: {  	v46 =	vld [tilespmem:s7+$0x2B30]  }
0xe1: {  	v20 =	vmul.f32 v40, v20;
	v47 =	vmul.f32 v42, v41;
	_ =	sdelay $0x1  }
0xe2: {  	v48 =	vmul.f32 v44, v43;
	v20 =	vadd.f32 v47, v20;
	_ =	sdelay $0x1  }
0xe3: {  	v49 =	vmul.f32 v46, v45;
	v20 =	vadd.f32 v48, v20;
	_ =	sdelay $0x1  }
0xe4: {  	v20 =	vadd.f32 v49, v20;
	_ =	sdelay $0x1  }
0xe5: {  	[tilespmem:v7+s23+$0x0] =	vst.idx.msk $0xffff, v20  }
0xe6: {  	v20 =	vld [tilespmem:s7+$0x340]  }
0xe7: {  	v50 =	vld [tilespmem:s7+$0x2B40]  }
0xe8: {  	v51 =	vld [tilespmem:s7+$0x350]  }
0xe9: {  	v52 =	vld [tilespmem:s7+$0x2B50]  }
0xea: {  	v53 =	vld [tilespmem:s7+$0x360]  }
0xeb: {  	v54 =	vld [tilespmem:s7+$0x2B60]  }
0xec: {  	v55 =	vld [tilespmem:s7+$0x370]  }
0xed: {  	v56 =	vld [tilespmem:s7+$0x2B70]  }
0xee: {  	v20 =	vmul.f32 v50, v20;
	v57 =	vmul.f32 v52, v51;
	_ =	sdelay $0x1  }
0xef: {  	v58 =	vmul.f32 v54, v53;
	v20 =	vadd.f32 v57, v20;
	_ =	sdelay $0x1  }
0xf0: {  	v59 =	vmul.f32 v56, v55;
	v20 =	vadd.f32 v58, v20;
	_ =	sdelay $0x1  }
0xf1: {  	v20 =	vadd.f32 v59, v20;
	_ =	sdelay $0x1  }
0xf2: {  	[tilespmem:v8+s23+$0x0] =	vst.idx.msk $0xffff, v20  }
0xf3: {  	v20 =	vld [tilespmem:s7+$0x400]  }
0xf4: {  	v60 =	vld [tilespmem:s7+$0x2C00]  }
0xf5: {  	v61 =	vld [tilespmem:s7+$0x410]  }
0xf6: {  	v62 =	vld [tilespmem:s7+$0x2C10]  }
0xf7: {  	v63 =	vld [tilespmem:s7+$0x420]  }
0xf8: {  	v30 =	vld [tilespmem:s7+$0x2C20]  }
0xf9: {  	v31 =	vld [tilespmem:s7+$0x430]  }
0xfa: {  	v32 =	vld [tilespmem:s7+$0x2C30]  }
0xfb: {  	v20 =	vmul.f32 v60, v20;
	v33 =	vmul.f32 v62, v61;
	_ =	sdelay $0x1  }
0xfc: {  	v34 =	vmul.f32 v30, v63;
	v20 =	vadd.f32 v33, v20;
	_ =	sdelay $0x1  }
0xfd: {  	v35 =	vmul.f32 v32, v31;
	v20 =	vadd.f32 v34, v20;
	_ =	sdelay $0x1  }
0xfe: {  	v20 =	vadd.f32 v35, v20;
	_ =	sdelay $0x1  }
0xff: {  	[tilespmem:v9+s23+$0x0] =	vst.idx.msk $0xffff, v20  }
0x100: {  	v20 =	vld [tilespmem:s7+$0x440]  }
0x101: {  	v36 =	vld [tilespmem:s7+$0x2C40]  }
0x102: {  	v37 =	vld [tilespmem:s7+$0x450]  }
0x103: {  	v38 =	vld [tilespmem:s7+$0x2C50]  }
0x104: {  	v39 =	vld [tilespmem:s7+$0x460]  }
0x105: {  	v40 =	vld [tilespmem:s7+$0x2C60]  }
0x106: {  	v41 =	vld [tilespmem:s7+$0x470]  }
0x107: {  	v42 =	vld [tilespmem:s7+$0x2C70]  }
0x108: {  	v20 =	vmul.f32 v36, v20;
	v43 =	vmul.f32 v38, v37;
	_ =	sdelay $0x1  }
0x109: {  	v44 =	vmul.f32 v40, v39;
	v20 =	vadd.f32 v43, v20;
	_ =	sdelay $0x1  }
0x10a: {  	v45 =	vmul.f32 v42, v41;
	v20 =	vadd.f32 v44, v20;
	_ =	sdelay $0x1  }
0x10b: {  	v20 =	vadd.f32 v45, v20;
	_ =	sdelay $0x1  }
0x10c: {  	[tilespmem:v10+s23+$0x0] =	vst.idx.msk $0xffff, v20  }
0x10d: {  	v20 =	vld [tilespmem:s7+$0x500]  }
0x10e: {  	v46 =	vld [tilespmem:s7+$0x2D00]  }
0x10f: {  	v47 =	vld [tilespmem:s7+$0x510]  }
0x110: {  	v48 =	vld [tilespmem:s7+$0x2D10]  }
0x111: {  	v49 =	vld [tilespmem:s7+$0x520]  }
0x112: {  	v50 =	vld [tilespmem:s7+$0x2D20]  }
0x113: {  	v51 =	vld [tilespmem:s7+$0x530]  }
0x114: {  	v52 =	vld [tilespmem:s7+$0x2D30]  }
0x115: {  	v20 =	vmul.f32 v46, v20;
	v53 =	vmul.f32 v48, v47;
	_ =	sdelay $0x1  }
0x116: {  	v54 =	vmul.f32 v50, v49;
	v20 =	vadd.f32 v53, v20;
	_ =	sdelay $0x1  }
0x117: {  	v55 =	vmul.f32 v52, v51;
	v20 =	vadd.f32 v54, v20;
	_ =	sdelay $0x1  }
0x118: {  	v20 =	vadd.f32 v55, v20;
	_ =	sdelay $0x1  }
0x119: {  	[tilespmem:v11+s23+$0x0] =	vst.idx.msk $0xffff, v20  }
0x11a: {  	v20 =	vld [tilespmem:s7+$0x540]  }
0x11b: {  	v56 =	vld [tilespmem:s7+$0x2D40]  }
0x11c: {  	v57 =	vld [tilespmem:s7+$0x550]  }
0x11d: {  	v58 =	vld [tilespmem:s7+$0x2D50]  }
0x11e: {  	v59 =	vld [tilespmem:s7+$0x560]  }
0x11f: {  	v60 =	vld [tilespmem:s7+$0x2D60]  }
0x120: {  	v61 =	vld [tilespmem:s7+$0x570]  }
0x121: {  	v62 =	vld [tilespmem:s7+$0x2D70]  }
0x122: {  	v20 =	vmul.f32 v56, v20;
	v63 =	vmul.f32 v58, v57;
	_ =	sdelay $0x1  }
0x123: {  	v28 =	vmul.f32 v60, v59;
	v20 =	vadd.f32 v63, v20;
	_ =	sdelay $0x1  }
0x124: {  	v29 =	vmul.f32 v62, v61;
	v20 =	vadd.f32 v28, v20;
	_ =	sdelay $0x1  }
0x125: {  	v20 =	vadd.f32 v29, v20;
	_ =	sdelay $0x1  }
0x126: {  	[tilespmem:v12+s23+$0x0] =	vst.idx.msk $0xffff, v20  }
0x127: {  	v20 =	vld [tilespmem:s7+$0x600]  }
0x128: {  	v30 =	vld [tilespmem:s7+$0x2E00]  }
0x129: {  	v31 =	vld [tilespmem:s7+$0x610]  }
0x12a: {  	v32 =	vld [tilespmem:s7+$0x2E10]  }
0x12b: {  	v33 =	vld [tilespmem:s7+$0x620]  }
0x12c: {  	v34 =	vld [tilespmem:s7+$0x2E20]  }
0x12d: {  	v35 =	vld [tilespmem:s7+$0x630]  }
0x12e: {  	v36 =	vld [tilespmem:s7+$0x2E30]  }
0x12f: {  	v20 =	vmul.f32 v30, v20;
	v37 =	vmul.f32 v32, v31;
	_ =	sdelay $0x1  }
0x130: {  	v38 =	vmul.f32 v34, v33;
	v20 =	vadd.f32 v37, v20;
	_ =	sdelay $0x1  }
0x131: {  	v39 =	vmul.f32 v36, v35;
	v20 =	vadd.f32 v38, v20;
	_ =	sdelay $0x1  }
0x132: {  	v20 =	vadd.f32 v39, v20;
	_ =	sdelay $0x1  }
0x133: {  	[tilespmem:v13+s23+$0x0] =	vst.idx.msk $0xffff, v20  }
0x134: {  	v20 =	vld [tilespmem:s7+$0x640]  }
0x135: {  	v40 =	vld [tilespmem:s7+$0x2E40]  }
0x136: {  	v41 =	vld [tilespmem:s7+$0x650]  }
0x137: {  	v42 =	vld [tilespmem:s7+$0x2E50]  }
0x138: {  	v43 =	vld [tilespmem:s7+$0x660]  }
0x139: {  	v44 =	vld [tilespmem:s7+$0x2E60]  }
0x13a: {  	v45 =	vld [tilespmem:s7+$0x670]  }
0x13b: {  	v46 =	vld [tilespmem:s7+$0x2E70]  }
0x13c: {  	v20 =	vmul.f32 v40, v20;
	v47 =	vmul.f32 v42, v41;
	_ =	sdelay $0x1  }
0x13d: {  	v48 =	vmul.f32 v44, v43;
	v20 =	vadd.f32 v47, v20;
	_ =	sdelay $0x1  }
0x13e: {  	v49 =	vmul.f32 v46, v45;
	v20 =	vadd.f32 v48, v20;
	_ =	sdelay $0x1  }
0x13f: {  	v20 =	vadd.f32 v49, v20;
	_ =	sdelay $0x1  }
0x140: {  	[tilespmem:v14+s23+$0x0] =	vst.idx.msk $0xffff, v20  }
0x141: {  	v20 =	vld [tilespmem:s7+$0x700]  }
0x142: {  	v50 =	vld [tilespmem:s7+$0x2F00]  }
0x143: {  	v51 =	vld [tilespmem:s7+$0x710]  }
0x144: {  	v52 =	vld [tilespmem:s7+$0x2F10]  }
0x145: {  	v53 =	vld [tilespmem:s7+$0x720]  }
0x146: {  	v54 =	vld [tilespmem:s7+$0x2F20]  }
0x147: {  	v55 =	vld [tilespmem:s7+$0x730]  }
0x148: {  	v56 =	vld [tilespmem:s7+$0x2F30]  }
0x149: {  	v20 =	vmul.f32 v50, v20;
	v57 =	vmul.f32 v52, v51;
	_ =	sdelay $0x1  }
0x14a: {  	v58 =	vmul.f32 v54, v53;
	v20 =	vadd.f32 v57, v20;
	_ =	sdelay $0x1  }
0x14b: {  	v59 =	vmul.f32 v56, v55;
	v20 =	vadd.f32 v58, v20;
	_ =	sdelay $0x1  }
0x14c: {  	v20 =	vadd.f32 v59, v20;
	_ =	sdelay $0x1  }
0x14d: {  	[tilespmem:v15+s23+$0x0] =	vst.idx.msk $0xffff, v20  }
0x14e: {  	v20 =	vld [tilespmem:s7+$0x740]  }
0x14f: {  	v60 =	vld [tilespmem:s7+$0x2F40]  }
0x150: {  	v61 =	vld [tilespmem:s7+$0x750]  }
0x151: {  	v62 =	vld [tilespmem:s7+$0x2F50]  }
0x152: {  	v63 =	vld [tilespmem:s7+$0x760]  }
0x153: {  	v30 =	vld [tilespmem:s7+$0x2F60]  }
0x154: {  	v31 =	vld [tilespmem:s7+$0x770]  }
0x155: {  	v32 =	vld [tilespmem:s7+$0x2F70]  }
0x156: {  	v20 =	vmul.f32 v60, v20;
	v33 =	vmul.f32 v62, v61;
	_ =	sdelay $0x1  }
0x157: {  	v34 =	vmul.f32 v30, v63;
	v20 =	vadd.f32 v33, v20;
	_ =	sdelay $0x1  }
0x158: {  	v35 =	vmul.f32 v32, v31;
	v20 =	vadd.f32 v34, v20;
	_ =	sdelay $0x1  }
0x159: {  	v20 =	vadd.f32 v35, v20;
	_ =	sdelay $0x1  }
0x15a: {  	[tilespmem:v17+s23+$0x0] =	vst.idx.msk $0xffff, v20  }
0x15b: {  	v20 =	vld [tilespmem:$0x7800]  }
0x15c: {  	v36 =	vld [tilespmem:$0x7880];
	_ =	sdelay $0x1  }
0x15d: {  	v37 =	vld [tilespmem:$0x7900];
	_ =	sdelay $0x1  }
0x15e: {  	v38 =	vld [tilespmem:$0x7980]  }
0x15f: {  	v20 =	vadd.f32 v36, v20  }
0x160: {  	v39 =	vld [tilespmem:$0x7A00]  }
0x161: {  	v20 =	vadd.f32 v37, v20  }
0x162: {  	v40 =	vld [tilespmem:$0x7A80]  }
0x163: {  	v20 =	vadd.f32 v38, v20  }
0x164: {  	v41 =	vld [tilespmem:$0x7B00]  }
0x165: {  	v20 =	vadd.f32 v39, v20  }
0x166: {  	v42 =	vld [tilespmem:$0x7B80]  }
0x167: {  	v20 =	vadd.f32 v40, v20  }
0x168: {  	v43 =	vld [tilespmem:$0x7C00]  }
0x169: {  	v20 =	vadd.f32 v41, v20  }
0x16a: {  	v44 =	vld [tilespmem:$0x7C80]  }
0x16b: {  	v20 =	vadd.f32 v42, v20  }
0x16c: {  	v45 =	vld [tilespmem:$0x7D00]  }
0x16d: {  	v20 =	vadd.f32 v43, v20  }
0x16e: {  	v46 =	vld [tilespmem:$0x7D80]  }
0x16f: {  	v20 =	vadd.f32 v44, v20  }
0x170: {  	v47 =	vld [tilespmem:$0x7E00]  }
0x171: {  	v20 =	vadd.f32 v45, v20  }
0x172: {  	v48 =	vld [tilespmem:$0x7E80]  }
0x173: {  	v20 =	vadd.f32 v46, v20  }
0x174: {  	v49 =	vld [tilespmem:$0x7F00]  }
0x175: {  	v20 =	vadd.f32 v47, v20  }
0x176: {  	v50 =	vld [tilespmem:$0x7F80]  }
0x177: {  	v20 =	vadd.f32 v48, v20;
	_ =	sdelay $0x1  }
0x178: {  	v20 =	vadd.f32 v49, v20;
	_ =	sdelay $0x1  }
0x179: {  	v20 =	vadd.f32 v50, v20;
	_ =	sdelay $0x1  }
0x17a: {  	v20 =	vmul.f32 $1.250000000e-01, v20;
	_ =	sdelay $0x1  }
0x17b: {  	v20 =	vmul.f32 $1.442695020e+00, v20;
	_ =	sdelay $0x1  }
0x17c: {  	(erf) = vpow2.f32 v20  }
0x17d: {  	s12 =	sshll.u32 s2, $0x3  }
0x17e: {  	v20 =	vmov s12  }
0x17f: {  	v20 =	vshll.u32 v20, $0x7  }
0x180: {  	v20 =	vor.u32 v18, v20  }
0x181: {  	v51 =	vor.u32 v16, v20;
	_ =	sdelay $0x3  }
0x182: {  	v52 =	vpop (erf)  }
0x183: {  	[tilespmem:v51+s24+$0x0] =	vst.idx.msk $0xffff, v52  }
0x184: {  	[tilespmem:v51+s25+$0x0] =	vst.idx.msk $0xffff, v52  }
0x185: {  	v21 =	vld [tilespmem:s7+$0x80]  }
0x186: {  	v22 =	vld [tilespmem:s7+$0x2880]  }
0x187: {  	v53 =	vld [tilespmem:s7+$0x90]  }
0x188: {  	v54 =	vld [tilespmem:s7+$0x2890]  }
0x189: {  	v55 =	vld [tilespmem:s7+$0xA0]  }
0x18a: {  	v56 =	vld [tilespmem:s7+$0x28A0]  }
0x18b: {  	v57 =	vld [tilespmem:s7+$0xB0]  }
0x18c: {  	v28 =	vld [tilespmem:s7+$0x28B0]  }
0x18d: {  	v21 =	vmul.f32 v22, v21;
	v58 =	vmul.f32 v54, v53;
	_ =	sdelay $0x1  }
0x18e: {  	v59 =	vmul.f32 v56, v55;
	v21 =	vadd.f32 v58, v21;
	_ =	sdelay $0x1  }
0x18f: {  	v60 =	vmul.f32 v28, v57;
	v21 =	vadd.f32 v59, v21;
	_ =	sdelay $0x1  }
0x190: {  	v21 =	vadd.f32 v60, v21;
	_ =	sdelay $0x1  }
0x191: {  	[tilespmem:v0+s23+$0x0] =	vst.idx.msk $0xffff, v21  }
0x192: {  	v21 =	vld [tilespmem:s7+$0xC0]  }
0x193: {  	v61 =	vld [tilespmem:s7+$0x28C0]  }
0x194: {  	v62 =	vld [tilespmem:s7+$0xD0]  }
0x195: {  	v63 =	vld [tilespmem:s7+$0x28D0]  }
0x196: {  	v32 =	vld [tilespmem:s7+$0xE0]  }
0x197: {  	v33 =	vld [tilespmem:s7+$0x28E0]  }
0x198: {  	v34 =	vld [tilespmem:s7+$0xF0]  }
0x199: {  	v35 =	vld [tilespmem:s7+$0x28F0]  }
0x19a: {  	v21 =	vmul.f32 v61, v21;
	v36 =	vmul.f32 v63, v62;
	_ =	sdelay $0x1  }
0x19b: {  	v37 =	vmul.f32 v33, v32;
	v21 =	vadd.f32 v36, v21;
	_ =	sdelay $0x1  }
0x19c: {  	v38 =	vmul.f32 v35, v34;
	v21 =	vadd.f32 v37, v21;
	_ =	sdelay $0x1  }
0x19d: {  	v21 =	vadd.f32 v38, v21;
	_ =	sdelay $0x1  }
0x19e: {  	[tilespmem:v2+s23+$0x0] =	vst.idx.msk $0xffff, v21  }
0x19f: {  	v21 =	vld [tilespmem:s7+$0x180]  }
0x1a0: {  	v39 =	vld [tilespmem:s7+$0x2980]  }
0x1a1: {  	v40 =	vld [tilespmem:s7+$0x190]  }
0x1a2: {  	v41 =	vld [tilespmem:s7+$0x2990]  }
0x1a3: {  	v42 =	vld [tilespmem:s7+$0x1A0]  }
0x1a4: {  	v43 =	vld [tilespmem:s7+$0x29A0]  }
0x1a5: {  	v44 =	vld [tilespmem:s7+$0x1B0]  }
0x1a6: {  	v45 =	vld [tilespmem:s7+$0x29B0]  }
0x1a7: {  	v21 =	vmul.f32 v39, v21;
	v46 =	vmul.f32 v41, v40;
	_ =	sdelay $0x1  }
0x1a8: {  	v47 =	vmul.f32 v43, v42;
	v21 =	vadd.f32 v46, v21;
	_ =	sdelay $0x1  }
0x1a9: {  	v48 =	vmul.f32 v45, v44;
	v21 =	vadd.f32 v47, v21;
	_ =	sdelay $0x1  }
0x1aa: {  	v21 =	vadd.f32 v48, v21;
	_ =	sdelay $0x1  }
0x1ab: {  	[tilespmem:v3+s23+$0x0] =	vst.idx.msk $0xffff, v21  }
0x1ac: {  	v21 =	vld [tilespmem:s7+$0x1C0]  }
0x1ad: {  	v49 =	vld [tilespmem:s7+$0x29C0]  }
0x1ae: {  	v50 =	vld [tilespmem:s7+$0x1D0]  }
0x1af: {  	v51 =	vld [tilespmem:s7+$0x29D0]  }
0x1b0: {  	v52 =	vld [tilespmem:s7+$0x1E0]  }
0x1b1: {  	v53 =	vld [tilespmem:s7+$0x29E0]  }
0x1b2: {  	v54 =	vld [tilespmem:s7+$0x1F0]  }
0x1b3: {  	v55 =	vld [tilespmem:s7+$0x29F0]  }
0x1b4: {  	v21 =	vmul.f32 v49, v21;
	v56 =	vmul.f32 v51, v50;
	_ =	sdelay $0x1  }
0x1b5: {  	v57 =	vmul.f32 v53, v52;
	v21 =	vadd.f32 v56, v21;
	_ =	sdelay $0x1  }
0x1b6: {  	v58 =	vmul.f32 v55, v54;
	v21 =	vadd.f32 v57, v21;
	_ =	sdelay $0x1  }
0x1b7: {  	v21 =	vadd.f32 v58, v21;
	_ =	sdelay $0x1  }
0x1b8: {  	[tilespmem:v4+s23+$0x0] =	vst.idx.msk $0xffff, v21  }
0x1b9: {  	v21 =	vld [tilespmem:s7+$0x280]  }
0x1ba: {  	v59 =	vld [tilespmem:s7+$0x2A80]  }
0x1bb: {  	v60 =	vld [tilespmem:s7+$0x290]  }
0x1bc: {  	v61 =	vld [tilespmem:s7+$0x2A90]  }
0x1bd: {  	v62 =	vld [tilespmem:s7+$0x2A0]  }
0x1be: {  	v63 =	vld [tilespmem:s7+$0x2AA0]  }
0x1bf: {  	v32 =	vld [tilespmem:s7+$0x2B0]  }
0x1c0: {  	v33 =	vld [tilespmem:s7+$0x2AB0]  }
0x1c1: {  	v21 =	vmul.f32 v59, v21;
	v34 =	vmul.f32 v61, v60;
	_ =	sdelay $0x1  }
0x1c2: {  	v35 =	vmul.f32 v63, v62;
	v21 =	vadd.f32 v34, v21;
	_ =	sdelay $0x1  }
0x1c3: {  	v36 =	vmul.f32 v33, v32;
	v21 =	vadd.f32 v35, v21;
	_ =	sdelay $0x1  }
0x1c4: {  	v21 =	vadd.f32 v36, v21;
	_ =	sdelay $0x1  }
0x1c5: {  	[tilespmem:v5+s23+$0x0] =	vst.idx.msk $0xffff, v21  }
0x1c6: {  	v21 =	vld [tilespmem:s7+$0x2C0]  }
0x1c7: {  	v37 =	vld [tilespmem:s7+$0x2AC0]  }
0x1c8: {  	v38 =	vld [tilespmem:s7+$0x2D0]  }
0x1c9: {  	v39 =	vld [tilespmem:s7+$0x2AD0]  }
0x1ca: {  	v40 =	vld [tilespmem:s7+$0x2E0]  }
0x1cb: {  	v41 =	vld [tilespmem:s7+$0x2AE0]  }
0x1cc: {  	v42 =	vld [tilespmem:s7+$0x2F0]  }
0x1cd: {  	v43 =	vld [tilespmem:s7+$0x2AF0]  }
0x1ce: {  	v21 =	vmul.f32 v37, v21;
	v44 =	vmul.f32 v39, v38;
	_ =	sdelay $0x1  }
0x1cf: {  	v45 =	vmul.f32 v41, v40;
	v21 =	vadd.f32 v44, v21;
	_ =	sdelay $0x1  }
0x1d0: {  	v46 =	vmul.f32 v43, v42;
	v21 =	vadd.f32 v45, v21;
	_ =	sdelay $0x1  }
0x1d1: {  	v21 =	vadd.f32 v46, v21;
	_ =	sdelay $0x1  }
0x1d2: {  	[tilespmem:v6+s23+$0x0] =	vst.idx.msk $0xffff, v21  }
0x1d3: {  	v21 =	vld [tilespmem:s7+$0x380]  }
0x1d4: {  	v47 =	vld [tilespmem:s7+$0x2B80]  }
0x1d5: {  	v48 =	vld [tilespmem:s7+$0x390]  }
0x1d6: {  	v49 =	vld [tilespmem:s7+$0x2B90]  }
0x1d7: {  	v50 =	vld [tilespmem:s7+$0x3A0]  }
0x1d8: {  	v51 =	vld [tilespmem:s7+$0x2BA0]  }
0x1d9: {  	v52 =	vld [tilespmem:s7+$0x3B0]  }
0x1da: {  	v53 =	vld [tilespmem:s7+$0x2BB0]  }
0x1db: {  	v21 =	vmul.f32 v47, v21;
	v54 =	vmul.f32 v49, v48;
	_ =	sdelay $0x1  }
0x1dc: {  	v55 =	vmul.f32 v51, v50;
	v21 =	vadd.f32 v54, v21;
	_ =	sdelay $0x1  }
0x1dd: {  	v56 =	vmul.f32 v53, v52;
	v21 =	vadd.f32 v55, v21;
	_ =	sdelay $0x1  }
0x1de: {  	v21 =	vadd.f32 v56, v21;
	_ =	sdelay $0x1  }
0x1df: {  	[tilespmem:v7+s23+$0x0] =	vst.idx.msk $0xffff, v21  }
0x1e0: {  	v21 =	vld [tilespmem:s7+$0x3C0]  }
0x1e1: {  	v57 =	vld [tilespmem:s7+$0x2BC0]  }
0x1e2: {  	v58 =	vld [tilespmem:s7+$0x3D0]  }
0x1e3: {  	v59 =	vld [tilespmem:s7+$0x2BD0]  }
0x1e4: {  	v60 =	vld [tilespmem:s7+$0x3E0]  }
0x1e5: {  	v61 =	vld [tilespmem:s7+$0x2BE0]  }
0x1e6: {  	v62 =	vld [tilespmem:s7+$0x3F0]  }
0x1e7: {  	v63 =	vld [tilespmem:s7+$0x2BF0]  }
0x1e8: {  	v21 =	vmul.f32 v57, v21;
	v30 =	vmul.f32 v59, v58;
	_ =	sdelay $0x1  }
0x1e9: {  	v31 =	vmul.f32 v61, v60;
	v21 =	vadd.f32 v30, v21;
	_ =	sdelay $0x1  }
0x1ea: {  	v32 =	vmul.f32 v63, v62;
	v21 =	vadd.f32 v31, v21;
	_ =	sdelay $0x1  }
0x1eb: {  	v21 =	vadd.f32 v32, v21;
	_ =	sdelay $0x1  }
0x1ec: {  	[tilespmem:v8+s23+$0x0] =	vst.idx.msk $0xffff, v21  }
0x1ed: {  	v21 =	vld [tilespmem:s7+$0x480]  }
0x1ee: {  	v33 =	vld [tilespmem:s7+$0x2C80]  }
0x1ef: {  	v34 =	vld [tilespmem:s7+$0x490]  }
0x1f0: {  	v35 =	vld [tilespmem:s7+$0x2C90]  }
0x1f1: {  	v36 =	vld [tilespmem:s7+$0x4A0]  }
0x1f2: {  	v37 =	vld [tilespmem:s7+$0x2CA0]  }
0x1f3: {  	v38 =	vld [tilespmem:s7+$0x4B0]  }
0x1f4: {  	v39 =	vld [tilespmem:s7+$0x2CB0]  }
0x1f5: {  	v21 =	vmul.f32 v33, v21;
	v40 =	vmul.f32 v35, v34;
	_ =	sdelay $0x1  }
0x1f6: {  	v41 =	vmul.f32 v37, v36;
	v21 =	vadd.f32 v40, v21;
	_ =	sdelay $0x1  }
0x1f7: {  	v42 =	vmul.f32 v39, v38;
	v21 =	vadd.f32 v41, v21;
	_ =	sdelay $0x1  }
0x1f8: {  	v21 =	vadd.f32 v42, v21;
	_ =	sdelay $0x1  }
0x1f9: {  	[tilespmem:v9+s23+$0x0] =	vst.idx.msk $0xffff, v21  }
0x1fa: {  	v21 =	vld [tilespmem:s7+$0x4C0]  }
0x1fb: {  	v43 =	vld [tilespmem:s7+$0x2CC0]  }
0x1fc: {  	v44 =	vld [tilespmem:s7+$0x4D0]  }
0x1fd: {  	v45 =	vld [tilespmem:s7+$0x2CD0]  }
0x1fe: {  	v46 =	vld [tilespmem:s7+$0x4E0]  }
0x1ff: {  	v47 =	vld [tilespmem:s7+$0x2CE0]  }
0x200: {  	v48 =	vld [tilespmem:s7+$0x4F0]  }
0x201: {  	v49 =	vld [tilespmem:s7+$0x2CF0]  }
0x202: {  	v21 =	vmul.f32 v43, v21;
	v50 =	vmul.f32 v45, v44;
	_ =	sdelay $0x1  }
0x203: {  	v51 =	vmul.f32 v47, v46;
	v21 =	vadd.f32 v50, v21;
	_ =	sdelay $0x1  }
0x204: {  	v52 =	vmul.f32 v49, v48;
	v21 =	vadd.f32 v51, v21;
	_ =	sdelay $0x1  }
0x205: {  	v21 =	vadd.f32 v52, v21;
	_ =	sdelay $0x1  }
0x206: {  	[tilespmem:v10+s23+$0x0] =	vst.idx.msk $0xffff, v21  }
0x207: {  	v21 =	vld [tilespmem:s7+$0x580]  }
0x208: {  	v53 =	vld [tilespmem:s7+$0x2D80]  }
0x209: {  	v54 =	vld [tilespmem:s7+$0x590]  }
0x20a: {  	v55 =	vld [tilespmem:s7+$0x2D90]  }
0x20b: {  	v56 =	vld [tilespmem:s7+$0x5A0]  }
0x20c: {  	v57 =	vld [tilespmem:s7+$0x2DA0]  }
0x20d: {  	v58 =	vld [tilespmem:s7+$0x5B0]  }
0x20e: {  	v59 =	vld [tilespmem:s7+$0x2DB0]  }
0x20f: {  	v21 =	vmul.f32 v53, v21;
	v60 =	vmul.f32 v55, v54;
	_ =	sdelay $0x1  }
0x210: {  	v61 =	vmul.f32 v57, v56;
	v21 =	vadd.f32 v60, v21;
	_ =	sdelay $0x1  }
0x211: {  	v62 =	vmul.f32 v59, v58;
	v21 =	vadd.f32 v61, v21;
	_ =	sdelay $0x1  }
0x212: {  	v21 =	vadd.f32 v62, v21;
	_ =	sdelay $0x1  }
0x213: {  	[tilespmem:v11+s23+$0x0] =	vst.idx.msk $0xffff, v21  }
0x214: {  	v21 =	vld [tilespmem:s7+$0x5C0]  }
0x215: {  	v63 =	vld [tilespmem:s7+$0x2DC0]  }
0x216: {  	v32 =	vld [tilespmem:s7+$0x5D0]  }
0x217: {  	v33 =	vld [tilespmem:s7+$0x2DD0]  }
0x218: {  	v34 =	vld [tilespmem:s7+$0x5E0]  }
0x219: {  	v35 =	vld [tilespmem:s7+$0x2DE0]  }
0x21a: {  	v36 =	vld [tilespmem:s7+$0x5F0]  }
0x21b: {  	v37 =	vld [tilespmem:s7+$0x2DF0]  }
0x21c: {  	v21 =	vmul.f32 v63, v21;
	v38 =	vmul.f32 v33, v32;
	_ =	sdelay $0x1  }
0x21d: {  	v39 =	vmul.f32 v35, v34;
	v21 =	vadd.f32 v38, v21;
	_ =	sdelay $0x1  }
0x21e: {  	v40 =	vmul.f32 v37, v36;
	v21 =	vadd.f32 v39, v21;
	_ =	sdelay $0x1  }
0x21f: {  	v21 =	vadd.f32 v40, v21;
	_ =	sdelay $0x1  }
0x220: {  	[tilespmem:v12+s23+$0x0] =	vst.idx.msk $0xffff, v21  }
0x221: {  	v21 =	vld [tilespmem:s7+$0x680]  }
0x222: {  	v41 =	vld [tilespmem:s7+$0x2E80]  }
0x223: {  	v42 =	vld [tilespmem:s7+$0x690]  }
0x224: {  	v43 =	vld [tilespmem:s7+$0x2E90]  }
0x225: {  	v44 =	vld [tilespmem:s7+$0x6A0]  }
0x226: {  	v45 =	vld [tilespmem:s7+$0x2EA0]  }
0x227: {  	v46 =	vld [tilespmem:s7+$0x6B0]  }
0x228: {  	v47 =	vld [tilespmem:s7+$0x2EB0]  }
0x229: {  	v21 =	vmul.f32 v41, v21;
	v48 =	vmul.f32 v43, v42;
	_ =	sdelay $0x1  }
0x22a: {  	v49 =	vmul.f32 v45, v44;
	v21 =	vadd.f32 v48, v21;
	_ =	sdelay $0x1  }
0x22b: {  	v50 =	vmul.f32 v47, v46;
	v21 =	vadd.f32 v49, v21;
	_ =	sdelay $0x1  }
0x22c: {  	v21 =	vadd.f32 v50, v21;
	_ =	sdelay $0x1  }
0x22d: {  	[tilespmem:v13+s23+$0x0] =	vst.idx.msk $0xffff, v21  }
0x22e: {  	v21 =	vld [tilespmem:s7+$0x6C0]  }
0x22f: {  	v51 =	vld [tilespmem:s7+$0x2EC0]  }
0x230: {  	v52 =	vld [tilespmem:s7+$0x6D0]  }
0x231: {  	v53 =	vld [tilespmem:s7+$0x2ED0]  }
0x232: {  	v54 =	vld [tilespmem:s7+$0x6E0]  }
0x233: {  	v55 =	vld [tilespmem:s7+$0x2EE0]  }
0x234: {  	v56 =	vld [tilespmem:s7+$0x6F0]  }
0x235: {  	v57 =	vld [tilespmem:s7+$0x2EF0]  }
0x236: {  	v21 =	vmul.f32 v51, v21;
	v58 =	vmul.f32 v53, v52;
	_ =	sdelay $0x1  }
0x237: {  	v59 =	vmul.f32 v55, v54;
	v21 =	vadd.f32 v58, v21;
	_ =	sdelay $0x1  }
0x238: {  	v60 =	vmul.f32 v57, v56;
	v21 =	vadd.f32 v59, v21;
	_ =	sdelay $0x1  }
0x239: {  	v21 =	vadd.f32 v60, v21;
	_ =	sdelay $0x1  }
0x23a: {  	[tilespmem:v14+s23+$0x0] =	vst.idx.msk $0xffff, v21  }
0x23b: {  	v21 =	vld [tilespmem:s7+$0x780]  }
0x23c: {  	v61 =	vld [tilespmem:s7+$0x2F80]  }
0x23d: {  	v62 =	vld [tilespmem:s7+$0x790]  }
0x23e: {  	v63 =	vld [tilespmem:s7+$0x2F90]  }
0x23f: {  	v32 =	vld [tilespmem:s7+$0x7A0]  }
0x240: {  	v33 =	vld [tilespmem:s7+$0x2FA0]  }
0x241: {  	v34 =	vld [tilespmem:s7+$0x7B0]  }
0x242: {  	v35 =	vld [tilespmem:s7+$0x2FB0]  }
0x243: {  	v21 =	vmul.f32 v61, v21;
	v36 =	vmul.f32 v63, v62;
	_ =	sdelay $0x1  }
0x244: {  	v37 =	vmul.f32 v33, v32;
	v21 =	vadd.f32 v36, v21;
	_ =	sdelay $0x1  }
0x245: {  	v38 =	vmul.f32 v35, v34;
	v21 =	vadd.f32 v37, v21;
	_ =	sdelay $0x1  }
0x246: {  	v21 =	vadd.f32 v38, v21;
	_ =	sdelay $0x1  }
0x247: {  	[tilespmem:v15+s23+$0x0] =	vst.idx.msk $0xffff, v21  }
0x248: {  	v21 =	vld [tilespmem:s7+$0x7C0]  }
0x249: {  	v39 =	vld [tilespmem:s7+$0x2FC0]  }
0x24a: {  	v40 =	vld [tilespmem:s7+$0x7D0]  }
0x24b: {  	v41 =	vld [tilespmem:s7+$0x2FD0]  }
0x24c: {  	v42 =	vld [tilespmem:s7+$0x7E0]  }
0x24d: {  	v43 =	vld [tilespmem:s7+$0x2FE0]  }
0x24e: {  	v44 =	vld [tilespmem:s7+$0x7F0]  }
0x24f: {  	v45 =	vld [tilespmem:s7+$0x2FF0]  }
0x250: {  	v21 =	vmul.f32 v39, v21;
	v46 =	vmul.f32 v41, v40;
	_ =	sdelay $0x1  }
0x251: {  	v47 =	vmul.f32 v43, v42;
	v21 =	vadd.f32 v46, v21;
	_ =	sdelay $0x1  }
0x252: {  	v48 =	vmul.f32 v45, v44;
	v21 =	vadd.f32 v47, v21;
	_ =	sdelay $0x1  }
0x253: {  	v21 =	vadd.f32 v48, v21;
	_ =	sdelay $0x1  }
0x254: {  	[tilespmem:v17+s23+$0x0] =	vst.idx.msk $0xffff, v21  }
0x255: {  	v21 =	vld [tilespmem:$0x7800]  }
0x256: {  	v49 =	vld [tilespmem:$0x7880];
	_ =	sdelay $0x1  }
0x257: {  	v50 =	vld [tilespmem:$0x7900];
	_ =	sdelay $0x1  }
0x258: {  	v51 =	vld [tilespmem:$0x7980]  }
0x259: {  	v21 =	vadd.f32 v49, v21  }
0x25a: {  	v52 =	vld [tilespmem:$0x7A00]  }
0x25b: {  	v21 =	vadd.f32 v50, v21  }
0x25c: {  	v53 =	vld [tilespmem:$0x7A80]  }
0x25d: {  	v21 =	vadd.f32 v51, v21  }
0x25e: {  	v54 =	vld [tilespmem:$0x7B00]  }
0x25f: {  	v21 =	vadd.f32 v52, v21  }
0x260: {  	v55 =	vld [tilespmem:$0x7B80]  }
0x261: {  	v21 =	vadd.f32 v53, v21  }
0x262: {  	v56 =	vld [tilespmem:$0x7C00]  }
0x263: {  	v21 =	vadd.f32 v54, v21  }
0x264: {  	v57 =	vld [tilespmem:$0x7C80]  }
0x265: {  	v21 =	vadd.f32 v55, v21  }
0x266: {  	v58 =	vld [tilespmem:$0x7D00]  }
0x267: {  	v21 =	vadd.f32 v56, v21  }
0x268: {  	v59 =	vld [tilespmem:$0x7D80]  }
0x269: {  	v21 =	vadd.f32 v57, v21  }
0x26a: {  	v60 =	vld [tilespmem:$0x7E00]  }
0x26b: {  	v21 =	vadd.f32 v58, v21  }
0x26c: {  	v61 =	vld [tilespmem:$0x7E80]  }
0x26d: {  	v21 =	vadd.f32 v59, v21  }
0x26e: {  	v62 =	vld [tilespmem:$0x7F00]  }
0x26f: {  	v21 =	vadd.f32 v60, v21  }
0x270: {  	v63 =	vld [tilespmem:$0x7F80]  }
0x271: {  	v21 =	vadd.f32 v61, v21;
	_ =	sdelay $0x1  }
0x272: {  	v21 =	vadd.f32 v62, v21;
	_ =	sdelay $0x1  }
0x273: {  	v21 =	vadd.f32 v63, v21;
	_ =	sdelay $0x1  }
0x274: {  	v21 =	vmul.f32 $1.250000000e-01, v21;
	_ =	sdelay $0x1  }
0x275: {  	v21 =	vmul.f32 $1.442695020e+00, v21;
	_ =	sdelay $0x1  }
0x276: {  	(erf) = vpow2.f32 v21;
	_ =	sdelay $0x4  }
0x277: {  	v20 =	vor.u32 v19, v20  }
0x278: {  	p0 =	sne.s32 s2, $0x4  }
.Ltmp2:
0x279: {  	_ = 	snop;
	(pc) =	sbr.rel @p0 .LBB2_7-.Ltmp2, $4  }
0x27a: {  	_ = 	snop  }
0x27b: {  	v21 =	vpop (erf)  }
0x27c: {  	[tilespmem:v20+s24+$0x0] =	vst.idx.msk $0xffff, v21  }
0x27d: {  	s2 =	sadd.s32 $0x1, s2;
	[tilespmem:v20+s25+$0x0] =	vst.idx.msk $0xffff, v21  }
0x27e: {  	s2 =	sshll.u32 s31, $0x4  }
0x27f: {  	s2 =	sadd.s32 s9, s2  }
0x280: {  	[hbm4b:s2+s8] =	stream.linear.scatter [tilespmem:s24], [sflag:$0x3], $0x1400, $0x38;
	[tilespmem:$0x1C180] =	vst v63  }
0x281: {  	s30 =	sadd.s32 $0x1, s30;
	_ =	swait.ge [sflag:s15], $0x1400  }
0x282: {  	p0 =	sne.s32 s30, $0x7D;
	[sflag:s15] =	ssyncset.done $0x0  }
.Ltmp3:
0x283: {  	[sflag:s15] =	ssyncadd.s32 $0xFFFFEC00;
	(pc) =	sbr.rel @p0 .LBB2_6-.Ltmp3, $4  }
0x284: {  	[spmem:s6] =	stream.indirect.scatter.add.f32 [tilespmem:s25], [sflag:$0x3], $0x80, s16, s26, $0xb8;
	[tilespmem:$0x1C180] =	vst v63  }
0x285: {  	_ =	swait.ge [sflag:s15], $0x1400  }
0x286: {  	[sflag:s15] =	ssyncset.done $0x0  }
0x287: {  	[sflag:s15] =	ssyncadd.s32 $0xFFFFEC00  }
0x288: {  	s2 =	stileid.u32;
	[bflag:$0x0] =	sbarrier.arrive $0xFFFF;
	s28 =	sadd.s32 $0x1, s28  }
0x289: {  	s7 =	sshrl.u32 s10, $0x3;
	s2 =	sshll.u32 s2, $0x6;
	p0 =	sne.s32 s28, s13  }
.Ltmp4:
0x28a: {  	s12 =	rddreg [dreg:$0x9];
	s2 =	sor.u32 $0x1C03, s2;
	(pc) =	sbr.rel @p0 .LBB2_1-.Ltmp4, $4  }
0x28b: {  	[hbm:s12], [sflag:s2] =	dma.local [spmem:s7], $0x2780  }
0x28c: {  	_ =	swait.ge [sflag:s15], $0x2780  }
0x28d: {  	[sflag:s15] =	ssyncset.done $0x0  }
0x28e: {  	[sflag:s15] =	ssyncadd.s32 $0xFFFFD880  }
0x28f: {  	_ =	sfence.sel $0x180000  }
0x290: {  	[bflag:$0x0] =	sbarrier.arrive $0xFFFF  }
0x291: {  	_ =	strace $0x90000047  }
0x292: {  	s0 =	stileid.u32;
	[bflag:$0x2] =	sbarrier.arrive $0xFFFF  }
0x293: {  	p0 =	sne.s32 s0, $0x0;
	s0 =	rddreg [dreg:$0x8]  }
0x294: {  	s0 =	sadd.s32 @!p0 $0x100000, s0  }
0x295: {  	[sflag:s0] =	ssyncadd.tile.s32 @!p0 $0x1;
	_ =	shalt  }
.Lfunc_end2:
_tile_overlayer_lowered:
.L_overlay_start_2:
0x296: {  	(tag) =	ssettag $0x2  }
0x297: {  	s0 =	rddreg [dreg:$0x0];
	s2 =	stileid.u32  }
0x298: {  	s1 =	rddreg [dreg:$0x1];
	p0 =	sne.s32 s2, $0x0  }
0x299: {  	s3 =	rddreg [dreg:$0x2];
	[bflag:$0x3] =	sbarrier.arrive $0xFFFF;
	s2 =	simm.s32 @!p0 $0x1C03  }
0x29a: {  	[timem:s3], [sflag:s2] =	dma.local @!p0 [hbm:s0], s1  }
0x29b: {  	s0 =	simm.s32 @!p0 $0x3  }
0x29c: {  	_ =	swait.ge @!p0 [sflag:s0], s1  }
0x29d: {  	s1 =	ssub.s32 @!p0 $0x0, s1;
	[sflag:s0] =	ssyncset.done @!p0 $0x0  }
0x29e: {  	[sflag:s0] =	ssyncadd.s32 @!p0 s1  }
0x29f: {  	[bflag:$0x3] =	sbarrier.arrive $0xFFFF  }
0x2a0: {  	_ =	shalt  }

</sc_bundles>
